<compile_context>
chip_gen: v7x
topology: tpu7x:2x2x1
jax: 0.10.2.dev20260603
libtpu: 0.0.44.dev20260713+nightly
codegen_flags: <defaults>
</compile_context>

<pallas_src>
import functools

import jax
import jax.numpy as jnp
from jax import lax
from jax.experimental import pallas as pl
from jax.experimental.pallas import tpu as pltpu
from jax.experimental.pallas import tpu_sc as plsc

D = 768
S_ = 2048
N = 8192
NC, NS = 2, 16
NW = NC * NS
BPW = N // NW
C = 64
NCHUNK = BPW // C


def _gather6(idx, t0, t1, t2):
    mesh = plsc.VectorSubcoreMesh(core_axis_name="c", subcore_axis_name="s")
    out_t = (jax.ShapeDtypeStruct((N, D), jnp.float32),) * 6

    @functools.partial(
        pl.kernel,
        out_type=out_t,
        mesh=mesh,
        scratch_types=[
            pltpu.VMEM((BPW,), jnp.int32),
            pltpu.VMEM((C, D), jnp.float32),
            pltpu.VMEM((C, D), jnp.float32),
            pltpu.SemaphoreType.DMA,
            pltpu.SemaphoreType.DMA,
            pltpu.SemaphoreType.DMA,
            pltpu.SemaphoreType.DMA,
        ],
    )
    def k(idx_hbm, T0, T1, T2, O0, O1, O2, O3, O4, O5, idx_v, rows0, rows1,
          g0, g1, w0, w1):
        wid = lax.axis_index("s") * NC + lax.axis_index("c")
        base = wid * BPW
        pltpu.sync_copy(
            idx_hbm.at[wid // (S_ // BPW), pl.ds((wid % (S_ // BPW)) * BPW, BPW)],
            idx_v)
        tasks = [(T, Oa, Ob, c)
                 for (T, Oa, Ob) in ((T0, O0, O5), (T1, O1, O4), (T2, O2, O3))
                 for c in range(NCHUNK)]
        rows = (rows0, rows1)
        gsem = (g0, g1)
        wsem = (w0, w1)

        def start_gather(i):
            T, _, _, c = tasks[i]
            b = i % 2
            return pltpu.async_copy(T.at[idx_v.at[pl.ds(c * C, C)]],
                                    rows[b], gsem[b])

        def start_writes(i):
            _, Oa, Ob, c = tasks[i]
            b = i % 2
            sl = pl.ds(base + c * C, C)
            ha = pltpu.async_copy(rows[b], Oa.at[sl], wsem[b])
            hb = pltpu.async_copy(rows[b], Ob.at[sl], wsem[b])
            return (ha, hb)

        n = len(tasks)
        g = [None, None]
        w = [None, None]
        g[0] = start_gather(0)
        for i in range(n):
            b = i % 2
            if i + 1 < n:
                nb = (i + 1) % 2
                if w[nb] is not None:
                    for h in w[nb]:
                        h.wait()
                    w[nb] = None
                g[nb] = start_gather(i + 1)
            g[b].wait()
            w[b] = start_writes(i)
        for pair in w:
            if pair is not None:
                for h in pair:
                    h.wait()

    return k(idx, t0, t1, t2)


def kernel(inputs, table0, table1, table2):
    B, S = inputs.shape
    outs = _gather6(inputs.astype(jnp.int32), table0, table1, table2)
    return tuple(o.reshape(B, S, D) for o in outs)

# --- scband reference (transcript-rebuilt; emitter-appended) ---
"""Pipeline reference for scband-value-embedding-55379308314877 (READ-ONLY COPY).

The authoritative reference and input builder live on the scoring server;
editing this copy changes nothing except your own understanding.
"""

import jax, jax.numpy as jnp
import numpy as np

VOCAB = 100000
D = 768
H = 3
B, S = 4, 2048


def setup_inputs(seed: int = 0) -> dict:
    key = jax.random.key(seed)
    ks = jax.random.split(key, H + 1)
    inputs = jax.random.randint(ks[0], (B, S), 0, VOCAB, dtype=jnp.int64 if jax.config.jax_enable_x64 else jnp.int32)
    d = {"inputs": inputs}
    for i in range(H):
        d[f"table{i}"] = jax.random.normal(ks[i + 1], (VOCAB, D), dtype=jnp.float32) * 0.02
    return d


def reference(inputs, table0, table1, table2):
    # ValueEmbedding.forward: ve = [emb(inputs) for emb in self.embed]; ve += reversed(ve)
    tables = [table0, table1, table2]
    ve = [jnp.take(t, inputs, axis=0) for t in tables]
    ve = ve + ve[::-1]
    return tuple(ve)

if __name__ == "__main__":
    import jax
    _d = setup_inputs()
    print(jax.jit(kernel)(*tuple(_d.values())))

</pallas_src>

<mosaic_0001>
#map = affine_map<(d0, d1) -> (0, 0)>
module attributes {stable_mosaic.version = 14 : i64} {
  func.func @k(%arg0: i32, %arg1: i32, %arg2: memref<4x2048xi32, #tpu.memory_space<hbm>>, %arg3: memref<100000x768xf32, #tpu.memory_space<hbm>>, %arg4: memref<100000x768xf32, #tpu.memory_space<hbm>>, %arg5: memref<100000x768xf32, #tpu.memory_space<hbm>>, %arg6: memref<8192x768xf32, #tpu.memory_space<hbm>>, %arg7: memref<8192x768xf32, #tpu.memory_space<hbm>>, %arg8: memref<8192x768xf32, #tpu.memory_space<hbm>>, %arg9: memref<8192x768xf32, #tpu.memory_space<hbm>>, %arg10: memref<8192x768xf32, #tpu.memory_space<hbm>>, %arg11: memref<8192x768xf32, #tpu.memory_space<hbm>>, %arg12: memref<256xi32, #tpu.memory_space<vmem>>, %arg13: memref<64x768xf32, #tpu.memory_space<vmem>>, %arg14: memref<64x768xf32, #tpu.memory_space<vmem>>, %arg15: memref<!tpu.dma_semaphore, #tpu.memory_space<semaphore_mem>>, %arg16: memref<!tpu.dma_semaphore, #tpu.memory_space<semaphore_mem>>, %arg17: memref<!tpu.dma_semaphore, #tpu.memory_space<semaphore_mem>>, %arg18: memref<!tpu.dma_semaphore, #tpu.memory_space<semaphore_mem>>) attributes {dimension_semantics = [#tpu.dimension_semantics<core_parallel>, #tpu.dimension_semantics<subcore_parallel>], iteration_bounds = array<i64: 2, 16>, scalar_prefetch = 0 : i64, scratch_operands = 7 : i64, tpu.core_type = #tpu.core_type<sc_vector_subcore>, window_params = [{transform_indices = #map}, {transform_indices = #map}, {transform_indices = #map}, {transform_indices = #map}, {transform_indices = #map}, {transform_indices = #map}, {transform_indices = #map}, {transform_indices = #map}, {transform_indices = #map}, {transform_indices = #map}]} {
    %mul3A = arith.constant 2 : i32
    %mul3A_0 = arith.muli %arg1, %mul3A : i32
    %add3A = arith.addi %mul3A_0, %arg0 : i32
    %mul3A_1 = arith.constant 256 : i32
    %mul3A_2 = arith.muli %add3A, %mul3A_1 : i32
    %jit3A = arith.constant 8 : i32
    %div3A = arith.divsi %add3A, %jit3A : i32
    %sign3A = arith.constant 0 : i32
    %sign3A_3 = arith.cmpi sgt, %add3A, %sign3A : i32
    %sign3A_4 = arith.extui %sign3A_3 : i1 to i32
    %sign3A_5 = arith.constant 0 : i32
    %sign3A_6 = arith.cmpi slt, %add3A, %sign3A_5 : i32
    %sign3A_7 = arith.extui %sign3A_6 : i1 to i32
    %sign3A_8 = arith.subi %sign3A_4, %sign3A_7 : i32
    %sign3A_9 = arith.constant 0 : i32
    %sign3A_10 = arith.cmpi sgt, %jit3A, %sign3A_9 : i32
    %sign3A_11 = arith.extui %sign3A_10 : i1 to i32
    %sign3A_12 = arith.constant 0 : i32
    %sign3A_13 = arith.cmpi slt, %jit3A, %sign3A_12 : i32
    %sign3A_14 = arith.extui %sign3A_13 : i1 to i32
    %sign3A_15 = arith.subi %sign3A_11, %sign3A_14 : i32
    %ne3A = arith.cmpi ne, %sign3A_8, %sign3A_15 : i32
    %rem3A = arith.remsi %add3A, %jit3A : i32
    %ne3A_16 = arith.constant 0 : i32
    %ne3A_17 = arith.cmpi ne, %rem3A, %ne3A_16 : i32
    %and3A = arith.andi %ne3A, %ne3A_17 : i1
    %sub3A = arith.constant 1 : i32
    %sub3A_18 = arith.subi %div3A, %sub3A : i32
    %select_n3A = arith.select %and3A, %sub3A_18, %div3A : i32
    %jit3A_19 = arith.constant 8 : i32
    %eq3A = arith.constant 0 : i32
    %eq3A_20 = arith.cmpi eq, %jit3A_19, %eq3A : i32
    %jit3A_21 = arith.constant 1 : i32
    %select_n3A_22 = arith.select %eq3A_20, %jit3A_21, %jit3A_19 : i32
    %rem3A_23 = arith.remsi %add3A, %select_n3A_22 : i32
    %ne3A_24 = arith.constant 0 : i32
    %ne3A_25 = arith.cmpi ne, %rem3A_23, %ne3A_24 : i32
    %lt3A = arith.constant 0 : i32
    %lt3A_26 = arith.cmpi slt, %rem3A_23, %lt3A : i32
    %lt3A_27 = arith.constant 0 : i32
    %lt3A_28 = arith.cmpi slt, %select_n3A_22, %lt3A_27 : i32
    %ne3A_29 = arith.xori %lt3A_26, %lt3A_28 : i1
    %and3A_30 = arith.andi %ne3A_29, %ne3A_25 : i1
    %add3A_31 = arith.addi %rem3A_23, %select_n3A_22 : i32
    %select_n3A_32 = arith.select %and3A_30, %add3A_31, %rem3A_23 : i32
    %mul3A_33 = arith.constant 256 : i32
    %mul3A_34 = arith.muli %select_n3A_32, %mul3A_33 : i32
    "tpu.region"() ({
      %run_scoped3A = tpu.sem_alloc : memref<!tpu.dma_semaphore, #tpu.memory_space<semaphore_mem>>
      %dma_start3A_369 = tpu.memref_slice %arg2[%select_n3A, %mul3A_34] : memref<4x2048xi32, #tpu.memory_space<hbm>> -> memref<1x256xi32, #tpu.memory_space<hbm>>
      %dma_start3A_370 = tpu.memref_squeeze %dma_start3A_369 : memref<1x256xi32, #tpu.memory_space<hbm>> -> memref<256xi32, #tpu.memory_space<hbm>>
      %dma_start3A_371 = tpu.memref_slice %arg2[%select_n3A, %mul3A_34] : memref<4x2048xi32, #tpu.memory_space<hbm>> -> memref<1x256xi32, #tpu.memory_space<hbm>>
      %dma_start3A_372 = tpu.memref_squeeze %dma_start3A_371 : memref<1x256xi32, #tpu.memory_space<hbm>> -> memref<256xi32, #tpu.memory_space<hbm>>
      tpu.enqueue_dma source(%dma_start3A_372 : memref<256xi32, #tpu.memory_space<hbm>>) target(%arg12 : memref<256xi32, #tpu.memory_space<vmem>>) target_semaphore(%run_scoped3A : memref<!tpu.dma_semaphore, #tpu.memory_space<semaphore_mem>>)
      %dma_wait3A_373 = tpu.memref_slice %arg2[%select_n3A, %mul3A_34] : memref<4x2048xi32, #tpu.memory_space<hbm>> -> memref<1x256xi32, #tpu.memory_space<hbm>>
      %dma_wait3A_374 = tpu.memref_squeeze %dma_wait3A_373 : memref<1x256xi32, #tpu.memory_space<hbm>> -> memref<256xi32, #tpu.memory_space<hbm>>
      %dma_wait3A_375 = tpu.memref_slice %arg2[%select_n3A, %mul3A_34] : memref<4x2048xi32, #tpu.memory_space<hbm>> -> memref<1x256xi32, #tpu.memory_space<hbm>>
      %dma_wait3A_376 = tpu.memref_squeeze %dma_wait3A_375 : memref<1x256xi32, #tpu.memory_space<hbm>> -> memref<256xi32, #tpu.memory_space<hbm>>
      tpu.wait_dma2 semaphore(%run_scoped3A : memref<!tpu.dma_semaphore, #tpu.memory_space<semaphore_mem>>) src(%dma_wait3A_376 : memref<256xi32, #tpu.memory_space<hbm>>) dst(%arg12 : memref<256xi32, #tpu.memory_space<vmem>>)
      tpu.yield
    }) : () -> ()
    %dma_start3A = arith.constant 0 : i32
    %dma_start3A_35 = tpu.memref_slice %arg12[%dma_start3A] : memref<256xi32, #tpu.memory_space<vmem>> -> memref<64xi32, #tpu.memory_space<vmem>>
    %dma_start3A_36 = arith.constant 0 : i32
    %dma_start3A_37 = arith.constant 0 : i32
    %dma_start3A_38 = tpu.memref_slice %arg3[%dma_start3A_36, %dma_start3A_37] : memref<100000x768xf32, #tpu.memory_space<hbm>> -> memref<100000x768xf32, #tpu.memory_space<hbm>>
    tpu.enqueue_indirect_dma source(%dma_start3A_38 : memref<100000x768xf32, #tpu.memory_space<hbm>>) target(%arg13 : memref<64x768xf32, #tpu.memory_space<vmem>>) offsets(%dma_start3A_35 : memref<64xi32, #tpu.memory_space<vmem>>) semaphore(%arg15 : memref<!tpu.dma_semaphore, #tpu.memory_space<semaphore_mem>>)
    %dma_start3A_39 = arith.constant 64 : i32
    %dma_start3A_40 = tpu.memref_slice %arg12[%dma_start3A_39] : memref<256xi32, #tpu.memory_space<vmem>> -> memref<64xi32, #tpu.memory_space<vmem>>
    %dma_start3A_41 = arith.constant 0 : i32
    %dma_start3A_42 = arith.constant 0 : i32
    %dma_start3A_43 = tpu.memref_slice %arg3[%dma_start3A_41, %dma_start3A_42] : memref<100000x768xf32, #tpu.memory_space<hbm>> -> memref<100000x768xf32, #tpu.memory_space<hbm>>
    tpu.enqueue_indirect_dma source(%dma_start3A_43 : memref<100000x768xf32, #tpu.memory_space<hbm>>) target(%arg14 : memref<64x768xf32, #tpu.memory_space<vmem>>) offsets(%dma_start3A_40 : memref<64xi32, #tpu.memory_space<vmem>>) semaphore(%arg16 : memref<!tpu.dma_semaphore, #tpu.memory_space<semaphore_mem>>)
    %dma_wait3A = arith.constant 0 : i32
    %dma_wait3A_44 = tpu.memref_slice %arg12[%dma_wait3A] : memref<256xi32, #tpu.memory_space<vmem>> -> memref<64xi32, #tpu.memory_space<vmem>>
    %dma_wait3A_45 = arith.constant 0 : i32
    %dma_wait3A_46 = arith.constant 0 : i32
    %dma_wait3A_47 = tpu.memref_slice %arg3[%dma_wait3A_45, %dma_wait3A_46] : memref<100000x768xf32, #tpu.memory_space<hbm>> -> memref<100000x768xf32, #tpu.memory_space<hbm>>
    tpu.wait_indirect_dma semaphore(%arg15 : memref<!tpu.dma_semaphore, #tpu.memory_space<semaphore_mem>>) src(%dma_wait3A_47 : memref<100000x768xf32, #tpu.memory_space<hbm>>) dst(%arg13 : memref<64x768xf32, #tpu.memory_space<vmem>>)
    %add3A_48 = arith.constant 0 : i32
    %add3A_49 = arith.addi %mul3A_2, %add3A_48 : i32
    %dma_start3A_50 = arith.constant 0 : i32
    %dma_start3A_51 = tpu.memref_slice %arg6[%add3A_49, %dma_start3A_50] : memref<8192x768xf32, #tpu.memory_space<hbm>> -> memref<64x768xf32, #tpu.memory_space<hbm>>
    %dma_start3A_52 = arith.constant 0 : i32
    %dma_start3A_53 = tpu.memref_slice %arg6[%add3A_49, %dma_start3A_52] : memref<8192x768xf32, #tpu.memory_space<hbm>> -> memref<64x768xf32, #tpu.memory_space<hbm>>
    tpu.enqueue_dma source(%arg13 : memref<64x768xf32, #tpu.memory_space<vmem>>) target(%dma_start3A_53 : memref<64x768xf32, #tpu.memory_space<hbm>>) target_semaphore(%arg17 : memref<!tpu.dma_semaphore, #tpu.memory_space<semaphore_mem>>)
    %dma_start3A_54 = arith.constant 0 : i32
    %dma_start3A_55 = tpu.memref_slice %arg11[%add3A_49, %dma_start3A_54] : memref<8192x768xf32, #tpu.memory_space<hbm>> -> memref<64x768xf32, #tpu.memory_space<hbm>>
    %dma_start3A_56 = arith.constant 0 : i32
    %dma_start3A_57 = tpu.memref_slice %arg11[%add3A_49, %dma_start3A_56] : memref<8192x768xf32, #tpu.memory_space<hbm>> -> memref<64x768xf32, #tpu.memory_space<hbm>>
    tpu.enqueue_dma source(%arg13 : memref<64x768xf32, #tpu.memory_space<vmem>>) target(%dma_start3A_57 : memref<64x768xf32, #tpu.memory_space<hbm>>) target_semaphore(%arg17 : memref<!tpu.dma_semaphore, #tpu.memory_space<semaphore_mem>>)
    %dma_wait3A_58 = arith.constant 0 : i32
    %dma_wait3A_59 = tpu.memref_slice %arg6[%add3A_49, %dma_wait3A_58] : memref<8192x768xf32, #tpu.memory_space<hbm>> -> memref<64x768xf32, #tpu.memory_space<hbm>>
    %dma_wait3A_60 = arith.constant 0 : i32
    %dma_wait3A_61 = tpu.memref_slice %arg6[%add3A_49, %dma_wait3A_60] : memref<8192x768xf32, #tpu.memory_space<hbm>> -> memref<64x768xf32, #tpu.memory_space<hbm>>
    tpu.wait_dma2 semaphore(%arg17 : memref<!tpu.dma_semaphore, #tpu.memory_space<semaphore_mem>>) src(%arg13 : memref<64x768xf32, #tpu.memory_space<vmem>>) dst(%dma_wait3A_61 : memref<64x768xf32, #tpu.memory_space<hbm>>)
    %dma_wait3A_62 = arith.constant 0 : i32
    %dma_wait3A_63 = tpu.memref_slice %arg11[%add3A_49, %dma_wait3A_62] : memref<8192x768xf32, #tpu.memory_space<hbm>> -> memref<64x768xf32, #tpu.memory_space<hbm>>
    %dma_wait3A_64 = arith.constant 0 : i32
    %dma_wait3A_65 = tpu.memref_slice %arg11[%add3A_49, %dma_wait3A_64] : memref<8192x768xf32, #tpu.memory_space<hbm>> -> memref<64x768xf32, #tpu.memory_space<hbm>>
    tpu.wait_dma2 semaphore(%arg17 : memref<!tpu.dma_semaphore, #tpu.memory_space<semaphore_mem>>) src(%arg13 : memref<64x768xf32, #tpu.memory_space<vmem>>) dst(%dma_wait3A_65 : memref<64x768xf32, #tpu.memory_space<hbm>>)
    %dma_start3A_66 = arith.constant 128 : i32
    %dma_start3A_67 = tpu.memref_slice %arg12[%dma_start3A_66] : memref<256xi32, #tpu.memory_space<vmem>> -> memref<64xi32, #tpu.memory_space<vmem>>
    %dma_start3A_68 = arith.constant 0 : i32
    %dma_start3A_69 = arith.constant 0 : i32
    %dma_start3A_70 = tpu.memref_slice %arg3[%dma_start3A_68, %dma_start3A_69] : memref<100000x768xf32, #tpu.memory_space<hbm>> -> memref<100000x768xf32, #tpu.memory_space<hbm>>
    tpu.enqueue_indirect_dma source(%dma_start3A_70 : memref<100000x768xf32, #tpu.memory_space<hbm>>) target(%arg13 : memref<64x768xf32, #tpu.memory_space<vmem>>) offsets(%dma_start3A_67 : memref<64xi32, #tpu.memory_space<vmem>>) semaphore(%arg15 : memref<!tpu.dma_semaphore, #tpu.memory_space<semaphore_mem>>)
    %dma_wait3A_71 = arith.constant 64 : i32
    %dma_wait3A_72 = tpu.memref_slice %arg12[%dma_wait3A_71] : memref<256xi32, #tpu.memory_space<vmem>> -> memref<64xi32, #tpu.memory_space<vmem>>
    %dma_wait3A_73 = arith.constant 0 : i32
    %dma_wait3A_74 = arith.constant 0 : i32
    %dma_wait3A_75 = tpu.memref_slice %arg3[%dma_wait3A_73, %dma_wait3A_74] : memref<100000x768xf32, #tpu.memory_space<hbm>> -> memref<100000x768xf32, #tpu.memory_space<hbm>>
    tpu.wait_indirect_dma semaphore(%arg16 : memref<!tpu.dma_semaphore, #tpu.memory_space<semaphore_mem>>) src(%dma_wait3A_75 : memref<100000x768xf32, #tpu.memory_space<hbm>>) dst(%arg14 : memref<64x768xf32, #tpu.memory_space<vmem>>)
    %add3A_76 = arith.constant 64 : i32
    %add3A_77 = arith.addi %mul3A_2, %add3A_76 : i32
    %dma_start3A_78 = arith.constant 0 : i32
    %dma_start3A_79 = tpu.memref_slice %arg6[%add3A_77, %dma_start3A_78] : memref<8192x768xf32, #tpu.memory_space<hbm>> -> memref<64x768xf32, #tpu.memory_space<hbm>>
    %dma_start3A_80 = arith.constant 0 : i32
    %dma_start3A_81 = tpu.memref_slice %arg6[%add3A_77, %dma_start3A_80] : memref<8192x768xf32, #tpu.memory_space<hbm>> -> memref<64x768xf32, #tpu.memory_space<hbm>>
    tpu.enqueue_dma source(%arg14 : memref<64x768xf32, #tpu.memory_space<vmem>>) target(%dma_start3A_81 : memref<64x768xf32, #tpu.memory_space<hbm>>) target_semaphore(%arg18 : memref<!tpu.dma_semaphore, #tpu.memory_space<semaphore_mem>>)
    %dma_start3A_82 = arith.constant 0 : i32
    %dma_start3A_83 = tpu.memref_slice %arg11[%add3A_77, %dma_start3A_82] : memref<8192x768xf32, #tpu.memory_space<hbm>> -> memref<64x768xf32, #tpu.memory_space<hbm>>
    %dma_start3A_84 = arith.constant 0 : i32
    %dma_start3A_85 = tpu.memref_slice %arg11[%add3A_77, %dma_start3A_84] : memref<8192x768xf32, #tpu.memory_space<hbm>> -> memref<64x768xf32, #tpu.memory_space<hbm>>
    tpu.enqueue_dma source(%arg14 : memref<64x768xf32, #tpu.memory_space<vmem>>) target(%dma_start3A_85 : memref<64x768xf32, #tpu.memory_space<hbm>>) target_semaphore(%arg18 : memref<!tpu.dma_semaphore, #tpu.memory_space<semaphore_mem>>)
    %dma_wait3A_86 = arith.constant 0 : i32
    %dma_wait3A_87 = tpu.memref_slice %arg6[%add3A_77, %dma_wait3A_86] : memref<8192x768xf32, #tpu.memory_space<hbm>> -> memref<64x768xf32, #tpu.memory_space<hbm>>
    %dma_wait3A_88 = arith.constant 0 : i32
    %dma_wait3A_89 = tpu.memref_slice %arg6[%add3A_77, %dma_wait3A_88] : memref<8192x768xf32, #tpu.memory_space<hbm>> -> memref<64x768xf32, #tpu.memory_space<hbm>>
    tpu.wait_dma2 semaphore(%arg18 : memref<!tpu.dma_semaphore, #tpu.memory_space<semaphore_mem>>) src(%arg14 : memref<64x768xf32, #tpu.memory_space<vmem>>) dst(%dma_wait3A_89 : memref<64x768xf32, #tpu.memory_space<hbm>>)
    %dma_wait3A_90 = arith.constant 0 : i32
    %dma_wait3A_91 = tpu.memref_slice %arg11[%add3A_77, %dma_wait3A_90] : memref<8192x768xf32, #tpu.memory_space<hbm>> -> memref<64x768xf32, #tpu.memory_space<hbm>>
    %dma_wait3A_92 = arith.constant 0 : i32
    %dma_wait3A_93 = tpu.memref_slice %arg11[%add3A_77, %dma_wait3A_92] : memref<8192x768xf32, #tpu.memory_space<hbm>> -> memref<64x768xf32, #tpu.memory_space<hbm>>
    tpu.wait_dma2 semaphore(%arg18 : memref<!tpu.dma_semaphore, #tpu.memory_space<semaphore_mem>>) src(%arg14 : memref<64x768xf32, #tpu.memory_space<vmem>>) dst(%dma_wait3A_93 : memref<64x768xf32, #tpu.memory_space<hbm>>)
    %dma_start3A_94 = arith.constant 192 : i32
    %dma_start3A_95 = tpu.memref_slice %arg12[%dma_start3A_94] : memref<256xi32, #tpu.memory_space<vmem>> -> memref<64xi32, #tpu.memory_space<vmem>>
    %dma_start3A_96 = arith.constant 0 : i32
    %dma_start3A_97 = arith.constant 0 : i32
    %dma_start3A_98 = tpu.memref_slice %arg3[%dma_start3A_96, %dma_start3A_97] : memref<100000x768xf32, #tpu.memory_space<hbm>> -> memref<100000x768xf32, #tpu.memory_space<hbm>>
    tpu.enqueue_indirect_dma source(%dma_start3A_98 : memref<100000x768xf32, #tpu.memory_space<hbm>>) target(%arg14 : memref<64x768xf32, #tpu.memory_space<vmem>>) offsets(%dma_start3A_95 : memref<64xi32, #tpu.memory_space<vmem>>) semaphore(%arg16 : memref<!tpu.dma_semaphore, #tpu.memory_space<semaphore_mem>>)
    %dma_wait3A_99 = arith.constant 128 : i32
    %dma_wait3A_100 = tpu.memref_slice %arg12[%dma_wait3A_99] : memref<256xi32, #tpu.memory_space<vmem>> -> memref<64xi32, #tpu.memory_space<vmem>>
    %dma_wait3A_101 = arith.constant 0 : i32
    %dma_wait3A_102 = arith.constant 0 : i32
    %dma_wait3A_103 = tpu.memref_slice %arg3[%dma_wait3A_101, %dma_wait3A_102] : memref<100000x768xf32, #tpu.memory_space<hbm>> -> memref<100000x768xf32, #tpu.memory_space<hbm>>
    tpu.wait_indirect_dma semaphore(%arg15 : memref<!tpu.dma_semaphore, #tpu.memory_space<semaphore_mem>>) src(%dma_wait3A_103 : memref<100000x768xf32, #tpu.memory_space<hbm>>) dst(%arg13 : memref<64x768xf32, #tpu.memory_space<vmem>>)
    %add3A_104 = arith.constant 128 : i32
    %add3A_105 = arith.addi %mul3A_2, %add3A_104 : i32
    %dma_start3A_106 = arith.constant 0 : i32
    %dma_start3A_107 = tpu.memref_slice %arg6[%add3A_105, %dma_start3A_106] : memref<8192x768xf32, #tpu.memory_space<hbm>> -> memref<64x768xf32, #tpu.memory_space<hbm>>
    %dma_start3A_108 = arith.constant 0 : i32
    %dma_start3A_109 = tpu.memref_slice %arg6[%add3A_105, %dma_start3A_108] : memref<8192x768xf32, #tpu.memory_space<hbm>> -> memref<64x768xf32, #tpu.memory_space<hbm>>
    tpu.enqueue_dma source(%arg13 : memref<64x768xf32, #tpu.memory_space<vmem>>) target(%dma_start3A_109 : memref<64x768xf32, #tpu.memory_space<hbm>>) target_semaphore(%arg17 : memref<!tpu.dma_semaphore, #tpu.memory_space<semaphore_mem>>)
    %dma_start3A_110 = arith.constant 0 : i32
    %dma_start3A_111 = tpu.memref_slice %arg11[%add3A_105, %dma_start3A_110] : memref<8192x768xf32, #tpu.memory_space<hbm>> -> memref<64x768xf32, #tpu.memory_space<hbm>>
    %dma_start3A_112 = arith.constant 0 : i32
    %dma_start3A_113 = tpu.memref_slice %arg11[%add3A_105, %dma_start3A_112] : memref<8192x768xf32, #tpu.memory_space<hbm>> -> memref<64x768xf32, #tpu.memory_space<hbm>>
    tpu.enqueue_dma source(%arg13 : memref<64x768xf32, #tpu.memory_space<vmem>>) target(%dma_start3A_113 : memref<64x768xf32, #tpu.memory_space<hbm>>) target_semaphore(%arg17 : memref<!tpu.dma_semaphore, #tpu.memory_space<semaphore_mem>>)
    %dma_wait3A_114 = arith.constant 0 : i32
    %dma_wait3A_115 = tpu.memref_slice %arg6[%add3A_105, %dma_wait3A_114] : memref<8192x768xf32, #tpu.memory_space<hbm>> -> memref<64x768xf32, #tpu.memory_space<hbm>>
    %dma_wait3A_116 = arith.constant 0 : i32
    %dma_wait3A_117 = tpu.memref_slice %arg6[%add3A_105, %dma_wait3A_116] : memref<8192x768xf32, #tpu.memory_space<hbm>> -> memref<64x768xf32, #tpu.memory_space<hbm>>
    tpu.wait_dma2 semaphore(%arg17 : memref<!tpu.dma_semaphore, #tpu.memory_space<semaphore_mem>>) src(%arg13 : memref<64x768xf32, #tpu.memory_space<vmem>>) dst(%dma_wait3A_117 : memref<64x768xf32, #tpu.memory_space<hbm>>)
    %dma_wait3A_118 = arith.constant 0 : i32
    %dma_wait3A_119 = tpu.memref_slice %arg11[%add3A_105, %dma_wait3A_118] : memref<8192x768xf32, #tpu.memory_space<hbm>> -> memref<64x768xf32, #tpu.memory_space<hbm>>
    %dma_wait3A_120 = arith.constant 0 : i32
    %dma_wait3A_121 = tpu.memref_slice %arg11[%add3A_105, %dma_wait3A_120] : memref<8192x768xf32, #tpu.memory_space<hbm>> -> memref<64x768xf32, #tpu.memory_space<hbm>>
    tpu.wait_dma2 semaphore(%arg17 : memref<!tpu.dma_semaphore, #tpu.memory_space<semaphore_mem>>) src(%arg13 : memref<64x768xf32, #tpu.memory_space<vmem>>) dst(%dma_wait3A_121 : memref<64x768xf32, #tpu.memory_space<hbm>>)
    %dma_start3A_122 = arith.constant 0 : i32
    %dma_start3A_123 = tpu.memref_slice %arg12[%dma_start3A_122] : memref<256xi32, #tpu.memory_space<vmem>> -> memref<64xi32, #tpu.memory_space<vmem>>
    %dma_start3A_124 = arith.constant 0 : i32
    %dma_start3A_125 = arith.constant 0 : i32
    %dma_start3A_126 = tpu.memref_slice %arg4[%dma_start3A_124, %dma_start3A_125] : memref<100000x768xf32, #tpu.memory_space<hbm>> -> memref<100000x768xf32, #tpu.memory_space<hbm>>
    tpu.enqueue_indirect_dma source(%dma_start3A_126 : memref<100000x768xf32, #tpu.memory_space<hbm>>) target(%arg13 : memref<64x768xf32, #tpu.memory_space<vmem>>) offsets(%dma_start3A_123 : memref<64xi32, #tpu.memory_space<vmem>>) semaphore(%arg15 : memref<!tpu.dma_semaphore, #tpu.memory_space<semaphore_mem>>)
    %dma_wait3A_127 = arith.constant 192 : i32
    %dma_wait3A_128 = tpu.memref_slice %arg12[%dma_wait3A_127] : memref<256xi32, #tpu.memory_space<vmem>> -> memref<64xi32, #tpu.memory_space<vmem>>
    %dma_wait3A_129 = arith.constant 0 : i32
    %dma_wait3A_130 = arith.constant 0 : i32
    %dma_wait3A_131 = tpu.memref_slice %arg3[%dma_wait3A_129, %dma_wait3A_130] : memref<100000x768xf32, #tpu.memory_space<hbm>> -> memref<100000x768xf32, #tpu.memory_space<hbm>>
    tpu.wait_indirect_dma semaphore(%arg16 : memref<!tpu.dma_semaphore, #tpu.memory_space<semaphore_mem>>) src(%dma_wait3A_131 : memref<100000x768xf32, #tpu.memory_space<hbm>>) dst(%arg14 : memref<64x768xf32, #tpu.memory_space<vmem>>)
    %add3A_132 = arith.constant 192 : i32
    %add3A_133 = arith.addi %mul3A_2, %add3A_132 : i32
    %dma_start3A_134 = arith.constant 0 : i32
    %dma_start3A_135 = tpu.memref_slice %arg6[%add3A_133, %dma_start3A_134] : memref<8192x768xf32, #tpu.memory_space<hbm>> -> memref<64x768xf32, #tpu.memory_space<hbm>>
    %dma_start3A_136 = arith.constant 0 : i32
    %dma_start3A_137 = tpu.memref_slice %arg6[%add3A_133, %dma_start3A_136] : memref<8192x768xf32, #tpu.memory_space<hbm>> -> memref<64x768xf32, #tpu.memory_space<hbm>>
    tpu.enqueue_dma source(%arg14 : memref<64x768xf32, #tpu.memory_space<vmem>>) target(%dma_start3A_137 : memref<64x768xf32, #tpu.memory_space<hbm>>) target_semaphore(%arg18 : memref<!tpu.dma_semaphore, #tpu.memory_space<semaphore_mem>>)
    %dma_start3A_138 = arith.constant 0 : i32
    %dma_start3A_139 = tpu.memref_slice %arg11[%add3A_133, %dma_start3A_138] : memref<8192x768xf32, #tpu.memory_space<hbm>> -> memref<64x768xf32, #tpu.memory_space<hbm>>
    %dma_start3A_140 = arith.constant 0 : i32
    %dma_start3A_141 = tpu.memref_slice %arg11[%add3A_133, %dma_start3A_140] : memref<8192x768xf32, #tpu.memory_space<hbm>> -> memref<64x768xf32, #tpu.memory_space<hbm>>
    tpu.enqueue_dma source(%arg14 : memref<64x768xf32, #tpu.memory_space<vmem>>) target(%dma_start3A_141 : memref<64x768xf32, #tpu.memory_space<hbm>>) target_semaphore(%arg18 : memref<!tpu.dma_semaphore, #tpu.memory_space<semaphore_mem>>)
    %dma_wait3A_142 = arith.constant 0 : i32
    %dma_wait3A_143 = tpu.memref_slice %arg6[%add3A_133, %dma_wait3A_142] : memref<8192x768xf32, #tpu.memory_space<hbm>> -> memref<64x768xf32, #tpu.memory_space<hbm>>
    %dma_wait3A_144 = arith.constant 0 : i32
    %dma_wait3A_145 = tpu.memref_slice %arg6[%add3A_133, %dma_wait3A_144] : memref<8192x768xf32, #tpu.memory_space<hbm>> -> memref<64x768xf32, #tpu.memory_space<hbm>>
    tpu.wait_dma2 semaphore(%arg18 : memref<!tpu.dma_semaphore, #tpu.memory_space<semaphore_mem>>) src(%arg14 : memref<64x768xf32, #tpu.memory_space<vmem>>) dst(%dma_wait3A_145 : memref<64x768xf32, #tpu.memory_space<hbm>>)
    %dma_wait3A_146 = arith.constant 0 : i32
    %dma_wait3A_147 = tpu.memref_slice %arg11[%add3A_133, %dma_wait3A_146] : memref<8192x768xf32, #tpu.memory_space<hbm>> -> memref<64x768xf32, #tpu.memory_space<hbm>>
    %dma_wait3A_148 = arith.constant 0 : i32
    %dma_wait3A_149 = tpu.memref_slice %arg11[%add3A_133, %dma_wait3A_148] : memref<8192x768xf32, #tpu.memory_space<hbm>> -> memref<64x768xf32, #tpu.memory_space<hbm>>
    tpu.wait_dma2 semaphore(%arg18 : memref<!tpu.dma_semaphore, #tpu.memory_space<semaphore_mem>>) src(%arg14 : memref<64x768xf32, #tpu.memory_space<vmem>>) dst(%dma_wait3A_149 : memref<64x768xf32, #tpu.memory_space<hbm>>)
    %dma_start3A_150 = arith.constant 64 : i32
    %dma_start3A_151 = tpu.memref_slice %arg12[%dma_start3A_150] : memref<256xi32, #tpu.memory_space<vmem>> -> memref<64xi32, #tpu.memory_space<vmem>>
    %dma_start3A_152 = arith.constant 0 : i32
    %dma_start3A_153 = arith.constant 0 : i32
    %dma_start3A_154 = tpu.memref_slice %arg4[%dma_start3A_152, %dma_start3A_153] : memref<100000x768xf32, #tpu.memory_space<hbm>> -> memref<100000x768xf32, #tpu.memory_space<hbm>>
    tpu.enqueue_indirect_dma source(%dma_start3A_154 : memref<100000x768xf32, #tpu.memory_space<hbm>>) target(%arg14 : memref<64x768xf32, #tpu.memory_space<vmem>>) offsets(%dma_start3A_151 : memref<64xi32, #tpu.memory_space<vmem>>) semaphore(%arg16 : memref<!tpu.dma_semaphore, #tpu.memory_space<semaphore_mem>>)
    %dma_wait3A_155 = arith.constant 0 : i32
    %dma_wait3A_156 = tpu.memref_slice %arg12[%dma_wait3A_155] : memref<256xi32, #tpu.memory_space<vmem>> -> memref<64xi32, #tpu.memory_space<vmem>>
    %dma_wait3A_157 = arith.constant 0 : i32
    %dma_wait3A_158 = arith.constant 0 : i32
    %dma_wait3A_159 = tpu.memref_slice %arg4[%dma_wait3A_157, %dma_wait3A_158] : memref<100000x768xf32, #tpu.memory_space<hbm>> -> memref<100000x768xf32, #tpu.memory_space<hbm>>
    tpu.wait_indirect_dma semaphore(%arg15 : memref<!tpu.dma_semaphore, #tpu.memory_space<semaphore_mem>>) src(%dma_wait3A_159 : memref<100000x768xf32, #tpu.memory_space<hbm>>) dst(%arg13 : memref<64x768xf32, #tpu.memory_space<vmem>>)
    %add3A_160 = arith.constant 0 : i32
    %add3A_161 = arith.addi %mul3A_2, %add3A_160 : i32
    %dma_start3A_162 = arith.constant 0 : i32
    %dma_start3A_163 = tpu.memref_slice %arg7[%add3A_161, %dma_start3A_162] : memref<8192x768xf32, #tpu.memory_space<hbm>> -> memref<64x768xf32, #tpu.memory_space<hbm>>
    %dma_start3A_164 = arith.constant 0 : i32
    %dma_start3A_165 = tpu.memref_slice %arg7[%add3A_161, %dma_start3A_164] : memref<8192x768xf32, #tpu.memory_space<hbm>> -> memref<64x768xf32, #tpu.memory_space<hbm>>
    tpu.enqueue_dma source(%arg13 : memref<64x768xf32, #tpu.memory_space<vmem>>) target(%dma_start3A_165 : memref<64x768xf32, #tpu.memory_space<hbm>>) target_semaphore(%arg17 : memref<!tpu.dma_semaphore, #tpu.memory_space<semaphore_mem>>)
    %dma_start3A_166 = arith.constant 0 : i32
    %dma_start3A_167 = tpu.memref_slice %arg10[%add3A_161, %dma_start3A_166] : memref<8192x768xf32, #tpu.memory_space<hbm>> -> memref<64x768xf32, #tpu.memory_space<hbm>>
    %dma_start3A_168 = arith.constant 0 : i32
    %dma_start3A_169 = tpu.memref_slice %arg10[%add3A_161, %dma_start3A_168] : memref<8192x768xf32, #tpu.memory_space<hbm>> -> memref<64x768xf32, #tpu.memory_space<hbm>>
    tpu.enqueue_dma source(%arg13 : memref<64x768xf32, #tpu.memory_space<vmem>>) target(%dma_start3A_169 : memref<64x768xf32, #tpu.memory_space<hbm>>) target_semaphore(%arg17 : memref<!tpu.dma_semaphore, #tpu.memory_space<semaphore_mem>>)
    %dma_wait3A_170 = arith.constant 0 : i32
    %dma_wait3A_171 = tpu.memref_slice %arg7[%add3A_161, %dma_wait3A_170] : memref<8192x768xf32, #tpu.memory_space<hbm>> -> memref<64x768xf32, #tpu.memory_space<hbm>>
    %dma_wait3A_172 = arith.constant 0 : i32
    %dma_wait3A_173 = tpu.memref_slice %arg7[%add3A_161, %dma_wait3A_172] : memref<8192x768xf32, #tpu.memory_space<hbm>> -> memref<64x768xf32, #tpu.memory_space<hbm>>
    tpu.wait_dma2 semaphore(%arg17 : memref<!tpu.dma_semaphore, #tpu.memory_space<semaphore_mem>>) src(%arg13 : memref<64x768xf32, #tpu.memory_space<vmem>>) dst(%dma_wait3A_173 : memref<64x768xf32, #tpu.memory_space<hbm>>)
    %dma_wait3A_174 = arith.constant 0 : i32
    %dma_wait3A_175 = tpu.memref_slice %arg10[%add3A_161, %dma_wait3A_174] : memref<8192x768xf32, #tpu.memory_space<hbm>> -> memref<64x768xf32, #tpu.memory_space<hbm>>
    %dma_wait3A_176 = arith.constant 0 : i32
    %dma_wait3A_177 = tpu.memref_slice %arg10[%add3A_161, %dma_wait3A_176] : memref<8192x768xf32, #tpu.memory_space<hbm>> -> memref<64x768xf32, #tpu.memory_space<hbm>>
    tpu.wait_dma2 semaphore(%arg17 : memref<!tpu.dma_semaphore, #tpu.memory_space<semaphore_mem>>) src(%arg13 : memref<64x768xf32, #tpu.memory_space<vmem>>) dst(%dma_wait3A_177 : memref<64x768xf32, #tpu.memory_space<hbm>>)
    %dma_start3A_178 = arith.constant 128 : i32
    %dma_start3A_179 = tpu.memref_slice %arg12[%dma_start3A_178] : memref<256xi32, #tpu.memory_space<vmem>> -> memref<64xi32, #tpu.memory_space<vmem>>
    %dma_start3A_180 = arith.constant 0 : i32
    %dma_start3A_181 = arith.constant 0 : i32
    %dma_start3A_182 = tpu.memref_slice %arg4[%dma_start3A_180, %dma_start3A_181] : memref<100000x768xf32, #tpu.memory_space<hbm>> -> memref<100000x768xf32, #tpu.memory_space<hbm>>
    tpu.enqueue_indirect_dma source(%dma_start3A_182 : memref<100000x768xf32, #tpu.memory_space<hbm>>) target(%arg13 : memref<64x768xf32, #tpu.memory_space<vmem>>) offsets(%dma_start3A_179 : memref<64xi32, #tpu.memory_space<vmem>>) semaphore(%arg15 : memref<!tpu.dma_semaphore, #tpu.memory_space<semaphore_mem>>)
    %dma_wait3A_183 = arith.constant 64 : i32
    %dma_wait3A_184 = tpu.memref_slice %arg12[%dma_wait3A_183] : memref<256xi32, #tpu.memory_space<vmem>> -> memref<64xi32, #tpu.memory_space<vmem>>
    %dma_wait3A_185 = arith.constant 0 : i32
    %dma_wait3A_186 = arith.constant 0 : i32
    %dma_wait3A_187 = tpu.memref_slice %arg4[%dma_wait3A_185, %dma_wait3A_186] : memref<100000x768xf32, #tpu.memory_space<hbm>> -> memref<100000x768xf32, #tpu.memory_space<hbm>>
    tpu.wait_indirect_dma semaphore(%arg16 : memref<!tpu.dma_semaphore, #tpu.memory_space<semaphore_mem>>) src(%dma_wait3A_187 : memref<100000x768xf32, #tpu.memory_space<hbm>>) dst(%arg14 : memref<64x768xf32, #tpu.memory_space<vmem>>)
    %add3A_188 = arith.constant 64 : i32
    %add3A_189 = arith.addi %mul3A_2, %add3A_188 : i32
    %dma_start3A_190 = arith.constant 0 : i32
    %dma_start3A_191 = tpu.memref_slice %arg7[%add3A_189, %dma_start3A_190] : memref<8192x768xf32, #tpu.memory_space<hbm>> -> memref<64x768xf32, #tpu.memory_space<hbm>>
    %dma_start3A_192 = arith.constant 0 : i32
    %dma_start3A_193 = tpu.memref_slice %arg7[%add3A_189, %dma_start3A_192] : memref<8192x768xf32, #tpu.memory_space<hbm>> -> memref<64x768xf32, #tpu.memory_space<hbm>>
    tpu.enqueue_dma source(%arg14 : memref<64x768xf32, #tpu.memory_space<vmem>>) target(%dma_start3A_193 : memref<64x768xf32, #tpu.memory_space<hbm>>) target_semaphore(%arg18 : memref<!tpu.dma_semaphore, #tpu.memory_space<semaphore_mem>>)
    %dma_start3A_194 = arith.constant 0 : i32
    %dma_start3A_195 = tpu.memref_slice %arg10[%add3A_189, %dma_start3A_194] : memref<8192x768xf32, #tpu.memory_space<hbm>> -> memref<64x768xf32, #tpu.memory_space<hbm>>
    %dma_start3A_196 = arith.constant 0 : i32
    %dma_start3A_197 = tpu.memref_slice %arg10[%add3A_189, %dma_start3A_196] : memref<8192x768xf32, #tpu.memory_space<hbm>> -> memref<64x768xf32, #tpu.memory_space<hbm>>
    tpu.enqueue_dma source(%arg14 : memref<64x768xf32, #tpu.memory_space<vmem>>) target(%dma_start3A_197 : memref<64x768xf32, #tpu.memory_space<hbm>>) target_semaphore(%arg18 : memref<!tpu.dma_semaphore, #tpu.memory_space<semaphore_mem>>)
    %dma_wait3A_198 = arith.constant 0 : i32
    %dma_wait3A_199 = tpu.memref_slice %arg7[%add3A_189, %dma_wait3A_198] : memref<8192x768xf32, #tpu.memory_space<hbm>> -> memref<64x768xf32, #tpu.memory_space<hbm>>
    %dma_wait3A_200 = arith.constant 0 : i32
    %dma_wait3A_201 = tpu.memref_slice %arg7[%add3A_189, %dma_wait3A_200] : memref<8192x768xf32, #tpu.memory_space<hbm>> -> memref<64x768xf32, #tpu.memory_space<hbm>>
    tpu.wait_dma2 semaphore(%arg18 : memref<!tpu.dma_semaphore, #tpu.memory_space<semaphore_mem>>) src(%arg14 : memref<64x768xf32, #tpu.memory_space<vmem>>) dst(%dma_wait3A_201 : memref<64x768xf32, #tpu.memory_space<hbm>>)
    %dma_wait3A_202 = arith.constant 0 : i32
    %dma_wait3A_203 = tpu.memref_slice %arg10[%add3A_189, %dma_wait3A_202] : memref<8192x768xf32, #tpu.memory_space<hbm>> -> memref<64x768xf32, #tpu.memory_space<hbm>>
    %dma_wait3A_204 = arith.constant 0 : i32
    %dma_wait3A_205 = tpu.memref_slice %arg10[%add3A_189, %dma_wait3A_204] : memref<8192x768xf32, #tpu.memory_space<hbm>> -> memref<64x768xf32, #tpu.memory_space<hbm>>
    tpu.wait_dma2 semaphore(%arg18 : memref<!tpu.dma_semaphore, #tpu.memory_space<semaphore_mem>>) src(%arg14 : memref<64x768xf32, #tpu.memory_space<vmem>>) dst(%dma_wait3A_205 : memref<64x768xf32, #tpu.memory_space<hbm>>)
    %dma_start3A_206 = arith.constant 192 : i32
    %dma_start3A_207 = tpu.memref_slice %arg12[%dma_start3A_206] : memref<256xi32, #tpu.memory_space<vmem>> -> memref<64xi32, #tpu.memory_space<vmem>>
    %dma_start3A_208 = arith.constant 0 : i32
    %dma_start3A_209 = arith.constant 0 : i32
    %dma_start3A_210 = tpu.memref_slice %arg4[%dma_start3A_208, %dma_start3A_209] : memref<100000x768xf32, #tpu.memory_space<hbm>> -> memref<100000x768xf32, #tpu.memory_space<hbm>>
    tpu.enqueue_indirect_dma source(%dma_start3A_210 : memref<100000x768xf32, #tpu.memory_space<hbm>>) target(%arg14 : memref<64x768xf32, #tpu.memory_space<vmem>>) offsets(%dma_start3A_207 : memref<64xi32, #tpu.memory_space<vmem>>) semaphore(%arg16 : memref<!tpu.dma_semaphore, #tpu.memory_space<semaphore_mem>>)
    %dma_wait3A_211 = arith.constant 128 : i32
    %dma_wait3A_212 = tpu.memref_slice %arg12[%dma_wait3A_211] : memref<256xi32, #tpu.memory_space<vmem>> -> memref<64xi32, #tpu.memory_space<vmem>>
    %dma_wait3A_213 = arith.constant 0 : i32
    %dma_wait3A_214 = arith.constant 0 : i32
    %dma_wait3A_215 = tpu.memref_slice %arg4[%dma_wait3A_213, %dma_wait3A_214] : memref<100000x768xf32, #tpu.memory_space<hbm>> -> memref<100000x768xf32, #tpu.memory_space<hbm>>
    tpu.wait_indirect_dma semaphore(%arg15 : memref<!tpu.dma_semaphore, #tpu.memory_space<semaphore_mem>>) src(%dma_wait3A_215 : memref<100000x768xf32, #tpu.memory_space<hbm>>) dst(%arg13 : memref<64x768xf32, #tpu.memory_space<vmem>>)
    %add3A_216 = arith.constant 128 : i32
    %add3A_217 = arith.addi %mul3A_2, %add3A_216 : i32
    %dma_start3A_218 = arith.constant 0 : i32
    %dma_start3A_219 = tpu.memref_slice %arg7[%add3A_217, %dma_start3A_218] : memref<8192x768xf32, #tpu.memory_space<hbm>> -> memref<64x768xf32, #tpu.memory_space<hbm>>
    %dma_start3A_220 = arith.constant 0 : i32
    %dma_start3A_221 = tpu.memref_slice %arg7[%add3A_217, %dma_start3A_220] : memref<8192x768xf32, #tpu.memory_space<hbm>> -> memref<64x768xf32, #tpu.memory_space<hbm>>
    tpu.enqueue_dma source(%arg13 : memref<64x768xf32, #tpu.memory_space<vmem>>) target(%dma_start3A_221 : memref<64x768xf32, #tpu.memory_space<hbm>>) target_semaphore(%arg17 : memref<!tpu.dma_semaphore, #tpu.memory_space<semaphore_mem>>)
    %dma_start3A_222 = arith.constant 0 : i32
    %dma_start3A_223 = tpu.memref_slice %arg10[%add3A_217, %dma_start3A_222] : memref<8192x768xf32, #tpu.memory_space<hbm>> -> memref<64x768xf32, #tpu.memory_space<hbm>>
    %dma_start3A_224 = arith.constant 0 : i32
    %dma_start3A_225 = tpu.memref_slice %arg10[%add3A_217, %dma_start3A_224] : memref<8192x768xf32, #tpu.memory_space<hbm>> -> memref<64x768xf32, #tpu.memory_space<hbm>>
    tpu.enqueue_dma source(%arg13 : memref<64x768xf32, #tpu.memory_space<vmem>>) target(%dma_start3A_225 : memref<64x768xf32, #tpu.memory_space<hbm>>) target_semaphore(%arg17 : memref<!tpu.dma_semaphore, #tpu.memory_space<semaphore_mem>>)
    %dma_wait3A_226 = arith.constant 0 : i32
    %dma_wait3A_227 = tpu.memref_slice %arg7[%add3A_217, %dma_wait3A_226] : memref<8192x768xf32, #tpu.memory_space<hbm>> -> memref<64x768xf32, #tpu.memory_space<hbm>>
    %dma_wait3A_228 = arith.constant 0 : i32
    %dma_wait3A_229 = tpu.memref_slice %arg7[%add3A_217, %dma_wait3A_228] : memref<8192x768xf32, #tpu.memory_space<hbm>> -> memref<64x768xf32, #tpu.memory_space<hbm>>
    tpu.wait_dma2 semaphore(%arg17 : memref<!tpu.dma_semaphore, #tpu.memory_space<semaphore_mem>>) src(%arg13 : memref<64x768xf32, #tpu.memory_space<vmem>>) dst(%dma_wait3A_229 : memref<64x768xf32, #tpu.memory_space<hbm>>)
    %dma_wait3A_230 = arith.constant 0 : i32
    %dma_wait3A_231 = tpu.memref_slice %arg10[%add3A_217, %dma_wait3A_230] : memref<8192x768xf32, #tpu.memory_space<hbm>> -> memref<64x768xf32, #tpu.memory_space<hbm>>
    %dma_wait3A_232 = arith.constant 0 : i32
    %dma_wait3A_233 = tpu.memref_slice %arg10[%add3A_217, %dma_wait3A_232] : memref<8192x768xf32, #tpu.memory_space<hbm>> -> memref<64x768xf32, #tpu.memory_space<hbm>>
    tpu.wait_dma2 semaphore(%arg17 : memref<!tpu.dma_semaphore, #tpu.memory_space<semaphore_mem>>) src(%arg13 : memref<64x768xf32, #tpu.memory_space<vmem>>) dst(%dma_wait3A_233 : memref<64x768xf32, #tpu.memory_space<hbm>>)
    %dma_start3A_234 = arith.constant 0 : i32
    %dma_start3A_235 = tpu.memref_slice %arg12[%dma_start3A_234] : memref<256xi32, #tpu.memory_space<vmem>> -> memref<64xi32, #tpu.memory_space<vmem>>
    %dma_start3A_236 = arith.constant 0 : i32
    %dma_start3A_237 = arith.constant 0 : i32
    %dma_start3A_238 = tpu.memref_slice %arg5[%dma_start3A_236, %dma_start3A_237] : memref<100000x768xf32, #tpu.memory_space<hbm>> -> memref<100000x768xf32, #tpu.memory_space<hbm>>
    tpu.enqueue_indirect_dma source(%dma_start3A_238 : memref<100000x768xf32, #tpu.memory_space<hbm>>) target(%arg13 : memref<64x768xf32, #tpu.memory_space<vmem>>) offsets(%dma_start3A_235 : memref<64xi32, #tpu.memory_space<vmem>>) semaphore(%arg15 : memref<!tpu.dma_semaphore, #tpu.memory_space<semaphore_mem>>)
    %dma_wait3A_239 = arith.constant 192 : i32
    %dma_wait3A_240 = tpu.memref_slice %arg12[%dma_wait3A_239] : memref<256xi32, #tpu.memory_space<vmem>> -> memref<64xi32, #tpu.memory_space<vmem>>
    %dma_wait3A_241 = arith.constant 0 : i32
    %dma_wait3A_242 = arith.constant 0 : i32
    %dma_wait3A_243 = tpu.memref_slice %arg4[%dma_wait3A_241, %dma_wait3A_242] : memref<100000x768xf32, #tpu.memory_space<hbm>> -> memref<100000x768xf32, #tpu.memory_space<hbm>>
    tpu.wait_indirect_dma semaphore(%arg16 : memref<!tpu.dma_semaphore, #tpu.memory_space<semaphore_mem>>) src(%dma_wait3A_243 : memref<100000x768xf32, #tpu.memory_space<hbm>>) dst(%arg14 : memref<64x768xf32, #tpu.memory_space<vmem>>)
    %add3A_244 = arith.constant 192 : i32
    %add3A_245 = arith.addi %mul3A_2, %add3A_244 : i32
    %dma_start3A_246 = arith.constant 0 : i32
    %dma_start3A_247 = tpu.memref_slice %arg7[%add3A_245, %dma_start3A_246] : memref<8192x768xf32, #tpu.memory_space<hbm>> -> memref<64x768xf32, #tpu.memory_space<hbm>>
    %dma_start3A_248 = arith.constant 0 : i32
    %dma_start3A_249 = tpu.memref_slice %arg7[%add3A_245, %dma_start3A_248] : memref<8192x768xf32, #tpu.memory_space<hbm>> -> memref<64x768xf32, #tpu.memory_space<hbm>>
    tpu.enqueue_dma source(%arg14 : memref<64x768xf32, #tpu.memory_space<vmem>>) target(%dma_start3A_249 : memref<64x768xf32, #tpu.memory_space<hbm>>) target_semaphore(%arg18 : memref<!tpu.dma_semaphore, #tpu.memory_space<semaphore_mem>>)
    %dma_start3A_250 = arith.constant 0 : i32
    %dma_start3A_251 = tpu.memref_slice %arg10[%add3A_245, %dma_start3A_250] : memref<8192x768xf32, #tpu.memory_space<hbm>> -> memref<64x768xf32, #tpu.memory_space<hbm>>
    %dma_start3A_252 = arith.constant 0 : i32
    %dma_start3A_253 = tpu.memref_slice %arg10[%add3A_245, %dma_start3A_252] : memref<8192x768xf32, #tpu.memory_space<hbm>> -> memref<64x768xf32, #tpu.memory_space<hbm>>
    tpu.enqueue_dma source(%arg14 : memref<64x768xf32, #tpu.memory_space<vmem>>) target(%dma_start3A_253 : memref<64x768xf32, #tpu.memory_space<hbm>>) target_semaphore(%arg18 : memref<!tpu.dma_semaphore, #tpu.memory_space<semaphore_mem>>)
    %dma_wait3A_254 = arith.constant 0 : i32
    %dma_wait3A_255 = tpu.memref_slice %arg7[%add3A_245, %dma_wait3A_254] : memref<8192x768xf32, #tpu.memory_space<hbm>> -> memref<64x768xf32, #tpu.memory_space<hbm>>
    %dma_wait3A_256 = arith.constant 0 : i32
    %dma_wait3A_257 = tpu.memref_slice %arg7[%add3A_245, %dma_wait3A_256] : memref<8192x768xf32, #tpu.memory_space<hbm>> -> memref<64x768xf32, #tpu.memory_space<hbm>>
    tpu.wait_dma2 semaphore(%arg18 : memref<!tpu.dma_semaphore, #tpu.memory_space<semaphore_mem>>) src(%arg14 : memref<64x768xf32, #tpu.memory_space<vmem>>) dst(%dma_wait3A_257 : memref<64x768xf32, #tpu.memory_space<hbm>>)
    %dma_wait3A_258 = arith.constant 0 : i32
    %dma_wait3A_259 = tpu.memref_slice %arg10[%add3A_245, %dma_wait3A_258] : memref<8192x768xf32, #tpu.memory_space<hbm>> -> memref<64x768xf32, #tpu.memory_space<hbm>>
    %dma_wait3A_260 = arith.constant 0 : i32
    %dma_wait3A_261 = tpu.memref_slice %arg10[%add3A_245, %dma_wait3A_260] : memref<8192x768xf32, #tpu.memory_space<hbm>> -> memref<64x768xf32, #tpu.memory_space<hbm>>
    tpu.wait_dma2 semaphore(%arg18 : memref<!tpu.dma_semaphore, #tpu.memory_space<semaphore_mem>>) src(%arg14 : memref<64x768xf32, #tpu.memory_space<vmem>>) dst(%dma_wait3A_261 : memref<64x768xf32, #tpu.memory_space<hbm>>)
    %dma_start3A_262 = arith.constant 64 : i32
    %dma_start3A_263 = tpu.memref_slice %arg12[%dma_start3A_262] : memref<256xi32, #tpu.memory_space<vmem>> -> memref<64xi32, #tpu.memory_space<vmem>>
    %dma_start3A_264 = arith.constant 0 : i32
    %dma_start3A_265 = arith.constant 0 : i32
    %dma_start3A_266 = tpu.memref_slice %arg5[%dma_start3A_264, %dma_start3A_265] : memref<100000x768xf32, #tpu.memory_space<hbm>> -> memref<100000x768xf32, #tpu.memory_space<hbm>>
    tpu.enqueue_indirect_dma source(%dma_start3A_266 : memref<100000x768xf32, #tpu.memory_space<hbm>>) target(%arg14 : memref<64x768xf32, #tpu.memory_space<vmem>>) offsets(%dma_start3A_263 : memref<64xi32, #tpu.memory_space<vmem>>) semaphore(%arg16 : memref<!tpu.dma_semaphore, #tpu.memory_space<semaphore_mem>>)
    %dma_wait3A_267 = arith.constant 0 : i32
    %dma_wait3A_268 = tpu.memref_slice %arg12[%dma_wait3A_267] : memref<256xi32, #tpu.memory_space<vmem>> -> memref<64xi32, #tpu.memory_space<vmem>>
    %dma_wait3A_269 = arith.constant 0 : i32
    %dma_wait3A_270 = arith.constant 0 : i32
    %dma_wait3A_271 = tpu.memref_slice %arg5[%dma_wait3A_269, %dma_wait3A_270] : memref<100000x768xf32, #tpu.memory_space<hbm>> -> memref<100000x768xf32, #tpu.memory_space<hbm>>
    tpu.wait_indirect_dma semaphore(%arg15 : memref<!tpu.dma_semaphore, #tpu.memory_space<semaphore_mem>>) src(%dma_wait3A_271 : memref<100000x768xf32, #tpu.memory_space<hbm>>) dst(%arg13 : memref<64x768xf32, #tpu.memory_space<vmem>>)
    %add3A_272 = arith.constant 0 : i32
    %add3A_273 = arith.addi %mul3A_2, %add3A_272 : i32
    %dma_start3A_274 = arith.constant 0 : i32
    %dma_start3A_275 = tpu.memref_slice %arg8[%add3A_273, %dma_start3A_274] : memref<8192x768xf32, #tpu.memory_space<hbm>> -> memref<64x768xf32, #tpu.memory_space<hbm>>
    %dma_start3A_276 = arith.constant 0 : i32
    %dma_start3A_277 = tpu.memref_slice %arg8[%add3A_273, %dma_start3A_276] : memref<8192x768xf32, #tpu.memory_space<hbm>> -> memref<64x768xf32, #tpu.memory_space<hbm>>
    tpu.enqueue_dma source(%arg13 : memref<64x768xf32, #tpu.memory_space<vmem>>) target(%dma_start3A_277 : memref<64x768xf32, #tpu.memory_space<hbm>>) target_semaphore(%arg17 : memref<!tpu.dma_semaphore, #tpu.memory_space<semaphore_mem>>)
    %dma_start3A_278 = arith.constant 0 : i32
    %dma_start3A_279 = tpu.memref_slice %arg9[%add3A_273, %dma_start3A_278] : memref<8192x768xf32, #tpu.memory_space<hbm>> -> memref<64x768xf32, #tpu.memory_space<hbm>>
    %dma_start3A_280 = arith.constant 0 : i32
    %dma_start3A_281 = tpu.memref_slice %arg9[%add3A_273, %dma_start3A_280] : memref<8192x768xf32, #tpu.memory_space<hbm>> -> memref<64x768xf32, #tpu.memory_space<hbm>>
    tpu.enqueue_dma source(%arg13 : memref<64x768xf32, #tpu.memory_space<vmem>>) target(%dma_start3A_281 : memref<64x768xf32, #tpu.memory_space<hbm>>) target_semaphore(%arg17 : memref<!tpu.dma_semaphore, #tpu.memory_space<semaphore_mem>>)
    %dma_wait3A_282 = arith.constant 0 : i32
    %dma_wait3A_283 = tpu.memref_slice %arg8[%add3A_273, %dma_wait3A_282] : memref<8192x768xf32, #tpu.memory_space<hbm>> -> memref<64x768xf32, #tpu.memory_space<hbm>>
    %dma_wait3A_284 = arith.constant 0 : i32
    %dma_wait3A_285 = tpu.memref_slice %arg8[%add3A_273, %dma_wait3A_284] : memref<8192x768xf32, #tpu.memory_space<hbm>> -> memref<64x768xf32, #tpu.memory_space<hbm>>
    tpu.wait_dma2 semaphore(%arg17 : memref<!tpu.dma_semaphore, #tpu.memory_space<semaphore_mem>>) src(%arg13 : memref<64x768xf32, #tpu.memory_space<vmem>>) dst(%dma_wait3A_285 : memref<64x768xf32, #tpu.memory_space<hbm>>)
    %dma_wait3A_286 = arith.constant 0 : i32
    %dma_wait3A_287 = tpu.memref_slice %arg9[%add3A_273, %dma_wait3A_286] : memref<8192x768xf32, #tpu.memory_space<hbm>> -> memref<64x768xf32, #tpu.memory_space<hbm>>
    %dma_wait3A_288 = arith.constant 0 : i32
    %dma_wait3A_289 = tpu.memref_slice %arg9[%add3A_273, %dma_wait3A_288] : memref<8192x768xf32, #tpu.memory_space<hbm>> -> memref<64x768xf32, #tpu.memory_space<hbm>>
    tpu.wait_dma2 semaphore(%arg17 : memref<!tpu.dma_semaphore, #tpu.memory_space<semaphore_mem>>) src(%arg13 : memref<64x768xf32, #tpu.memory_space<vmem>>) dst(%dma_wait3A_289 : memref<64x768xf32, #tpu.memory_space<hbm>>)
    %dma_start3A_290 = arith.constant 128 : i32
    %dma_start3A_291 = tpu.memref_slice %arg12[%dma_start3A_290] : memref<256xi32, #tpu.memory_space<vmem>> -> memref<64xi32, #tpu.memory_space<vmem>>
    %dma_start3A_292 = arith.constant 0 : i32
    %dma_start3A_293 = arith.constant 0 : i32
    %dma_start3A_294 = tpu.memref_slice %arg5[%dma_start3A_292, %dma_start3A_293] : memref<100000x768xf32, #tpu.memory_space<hbm>> -> memref<100000x768xf32, #tpu.memory_space<hbm>>
    tpu.enqueue_indirect_dma source(%dma_start3A_294 : memref<100000x768xf32, #tpu.memory_space<hbm>>) target(%arg13 : memref<64x768xf32, #tpu.memory_space<vmem>>) offsets(%dma_start3A_291 : memref<64xi32, #tpu.memory_space<vmem>>) semaphore(%arg15 : memref<!tpu.dma_semaphore, #tpu.memory_space<semaphore_mem>>)
    %dma_wait3A_295 = arith.constant 64 : i32
    %dma_wait3A_296 = tpu.memref_slice %arg12[%dma_wait3A_295] : memref<256xi32, #tpu.memory_space<vmem>> -> memref<64xi32, #tpu.memory_space<vmem>>
    %dma_wait3A_297 = arith.constant 0 : i32
    %dma_wait3A_298 = arith.constant 0 : i32
    %dma_wait3A_299 = tpu.memref_slice %arg5[%dma_wait3A_297, %dma_wait3A_298] : memref<100000x768xf32, #tpu.memory_space<hbm>> -> memref<100000x768xf32, #tpu.memory_space<hbm>>
    tpu.wait_indirect_dma semaphore(%arg16 : memref<!tpu.dma_semaphore, #tpu.memory_space<semaphore_mem>>) src(%dma_wait3A_299 : memref<100000x768xf32, #tpu.memory_space<hbm>>) dst(%arg14 : memref<64x768xf32, #tpu.memory_space<vmem>>)
    %add3A_300 = arith.constant 64 : i32
    %add3A_301 = arith.addi %mul3A_2, %add3A_300 : i32
    %dma_start3A_302 = arith.constant 0 : i32
    %dma_start3A_303 = tpu.memref_slice %arg8[%add3A_301, %dma_start3A_302] : memref<8192x768xf32, #tpu.memory_space<hbm>> -> memref<64x768xf32, #tpu.memory_space<hbm>>
    %dma_start3A_304 = arith.constant 0 : i32
    %dma_start3A_305 = tpu.memref_slice %arg8[%add3A_301, %dma_start3A_304] : memref<8192x768xf32, #tpu.memory_space<hbm>> -> memref<64x768xf32, #tpu.memory_space<hbm>>
    tpu.enqueue_dma source(%arg14 : memref<64x768xf32, #tpu.memory_space<vmem>>) target(%dma_start3A_305 : memref<64x768xf32, #tpu.memory_space<hbm>>) target_semaphore(%arg18 : memref<!tpu.dma_semaphore, #tpu.memory_space<semaphore_mem>>)
    %dma_start3A_306 = arith.constant 0 : i32
    %dma_start3A_307 = tpu.memref_slice %arg9[%add3A_301, %dma_start3A_306] : memref<8192x768xf32, #tpu.memory_space<hbm>> -> memref<64x768xf32, #tpu.memory_space<hbm>>
    %dma_start3A_308 = arith.constant 0 : i32
    %dma_start3A_309 = tpu.memref_slice %arg9[%add3A_301, %dma_start3A_308] : memref<8192x768xf32, #tpu.memory_space<hbm>> -> memref<64x768xf32, #tpu.memory_space<hbm>>
    tpu.enqueue_dma source(%arg14 : memref<64x768xf32, #tpu.memory_space<vmem>>) target(%dma_start3A_309 : memref<64x768xf32, #tpu.memory_space<hbm>>) target_semaphore(%arg18 : memref<!tpu.dma_semaphore, #tpu.memory_space<semaphore_mem>>)
    %dma_wait3A_310 = arith.constant 0 : i32
    %dma_wait3A_311 = tpu.memref_slice %arg8[%add3A_301, %dma_wait3A_310] : memref<8192x768xf32, #tpu.memory_space<hbm>> -> memref<64x768xf32, #tpu.memory_space<hbm>>
    %dma_wait3A_312 = arith.constant 0 : i32
    %dma_wait3A_313 = tpu.memref_slice %arg8[%add3A_301, %dma_wait3A_312] : memref<8192x768xf32, #tpu.memory_space<hbm>> -> memref<64x768xf32, #tpu.memory_space<hbm>>
    tpu.wait_dma2 semaphore(%arg18 : memref<!tpu.dma_semaphore, #tpu.memory_space<semaphore_mem>>) src(%arg14 : memref<64x768xf32, #tpu.memory_space<vmem>>) dst(%dma_wait3A_313 : memref<64x768xf32, #tpu.memory_space<hbm>>)
    %dma_wait3A_314 = arith.constant 0 : i32
    %dma_wait3A_315 = tpu.memref_slice %arg9[%add3A_301, %dma_wait3A_314] : memref<8192x768xf32, #tpu.memory_space<hbm>> -> memref<64x768xf32, #tpu.memory_space<hbm>>
    %dma_wait3A_316 = arith.constant 0 : i32
    %dma_wait3A_317 = tpu.memref_slice %arg9[%add3A_301, %dma_wait3A_316] : memref<8192x768xf32, #tpu.memory_space<hbm>> -> memref<64x768xf32, #tpu.memory_space<hbm>>
    tpu.wait_dma2 semaphore(%arg18 : memref<!tpu.dma_semaphore, #tpu.memory_space<semaphore_mem>>) src(%arg14 : memref<64x768xf32, #tpu.memory_space<vmem>>) dst(%dma_wait3A_317 : memref<64x768xf32, #tpu.memory_space<hbm>>)
    %dma_start3A_318 = arith.constant 192 : i32
    %dma_start3A_319 = tpu.memref_slice %arg12[%dma_start3A_318] : memref<256xi32, #tpu.memory_space<vmem>> -> memref<64xi32, #tpu.memory_space<vmem>>
    %dma_start3A_320 = arith.constant 0 : i32
    %dma_start3A_321 = arith.constant 0 : i32
    %dma_start3A_322 = tpu.memref_slice %arg5[%dma_start3A_320, %dma_start3A_321] : memref<100000x768xf32, #tpu.memory_space<hbm>> -> memref<100000x768xf32, #tpu.memory_space<hbm>>
    tpu.enqueue_indirect_dma source(%dma_start3A_322 : memref<100000x768xf32, #tpu.memory_space<hbm>>) target(%arg14 : memref<64x768xf32, #tpu.memory_space<vmem>>) offsets(%dma_start3A_319 : memref<64xi32, #tpu.memory_space<vmem>>) semaphore(%arg16 : memref<!tpu.dma_semaphore, #tpu.memory_space<semaphore_mem>>)
    %dma_wait3A_323 = arith.constant 128 : i32
    %dma_wait3A_324 = tpu.memref_slice %arg12[%dma_wait3A_323] : memref<256xi32, #tpu.memory_space<vmem>> -> memref<64xi32, #tpu.memory_space<vmem>>
    %dma_wait3A_325 = arith.constant 0 : i32
    %dma_wait3A_326 = arith.constant 0 : i32
    %dma_wait3A_327 = tpu.memref_slice %arg5[%dma_wait3A_325, %dma_wait3A_326] : memref<100000x768xf32, #tpu.memory_space<hbm>> -> memref<100000x768xf32, #tpu.memory_space<hbm>>
    tpu.wait_indirect_dma semaphore(%arg15 : memref<!tpu.dma_semaphore, #tpu.memory_space<semaphore_mem>>) src(%dma_wait3A_327 : memref<100000x768xf32, #tpu.memory_space<hbm>>) dst(%arg13 : memref<64x768xf32, #tpu.memory_space<vmem>>)
    %add3A_328 = arith.constant 128 : i32
    %add3A_329 = arith.addi %mul3A_2, %add3A_328 : i32
    %dma_start3A_330 = arith.constant 0 : i32
    %dma_start3A_331 = tpu.memref_slice %arg8[%add3A_329, %dma_start3A_330] : memref<8192x768xf32, #tpu.memory_space<hbm>> -> memref<64x768xf32, #tpu.memory_space<hbm>>
    %dma_start3A_332 = arith.constant 0 : i32
    %dma_start3A_333 = tpu.memref_slice %arg8[%add3A_329, %dma_start3A_332] : memref<8192x768xf32, #tpu.memory_space<hbm>> -> memref<64x768xf32, #tpu.memory_space<hbm>>
    tpu.enqueue_dma source(%arg13 : memref<64x768xf32, #tpu.memory_space<vmem>>) target(%dma_start3A_333 : memref<64x768xf32, #tpu.memory_space<hbm>>) target_semaphore(%arg17 : memref<!tpu.dma_semaphore, #tpu.memory_space<semaphore_mem>>)
    %dma_start3A_334 = arith.constant 0 : i32
    %dma_start3A_335 = tpu.memref_slice %arg9[%add3A_329, %dma_start3A_334] : memref<8192x768xf32, #tpu.memory_space<hbm>> -> memref<64x768xf32, #tpu.memory_space<hbm>>
    %dma_start3A_336 = arith.constant 0 : i32
    %dma_start3A_337 = tpu.memref_slice %arg9[%add3A_329, %dma_start3A_336] : memref<8192x768xf32, #tpu.memory_space<hbm>> -> memref<64x768xf32, #tpu.memory_space<hbm>>
    tpu.enqueue_dma source(%arg13 : memref<64x768xf32, #tpu.memory_space<vmem>>) target(%dma_start3A_337 : memref<64x768xf32, #tpu.memory_space<hbm>>) target_semaphore(%arg17 : memref<!tpu.dma_semaphore, #tpu.memory_space<semaphore_mem>>)
    %dma_wait3A_338 = arith.constant 192 : i32
    %dma_wait3A_339 = tpu.memref_slice %arg12[%dma_wait3A_338] : memref<256xi32, #tpu.memory_space<vmem>> -> memref<64xi32, #tpu.memory_space<vmem>>
    %dma_wait3A_340 = arith.constant 0 : i32
    %dma_wait3A_341 = arith.constant 0 : i32
    %dma_wait3A_342 = tpu.memref_slice %arg5[%dma_wait3A_340, %dma_wait3A_341] : memref<100000x768xf32, #tpu.memory_space<hbm>> -> memref<100000x768xf32, #tpu.memory_space<hbm>>
    tpu.wait_indirect_dma semaphore(%arg16 : memref<!tpu.dma_semaphore, #tpu.memory_space<semaphore_mem>>) src(%dma_wait3A_342 : memref<100000x768xf32, #tpu.memory_space<hbm>>) dst(%arg14 : memref<64x768xf32, #tpu.memory_space<vmem>>)
    %add3A_343 = arith.constant 192 : i32
    %add3A_344 = arith.addi %mul3A_2, %add3A_343 : i32
    %dma_start3A_345 = arith.constant 0 : i32
    %dma_start3A_346 = tpu.memref_slice %arg8[%add3A_344, %dma_start3A_345] : memref<8192x768xf32, #tpu.memory_space<hbm>> -> memref<64x768xf32, #tpu.memory_space<hbm>>
    %dma_start3A_347 = arith.constant 0 : i32
    %dma_start3A_348 = tpu.memref_slice %arg8[%add3A_344, %dma_start3A_347] : memref<8192x768xf32, #tpu.memory_space<hbm>> -> memref<64x768xf32, #tpu.memory_space<hbm>>
    tpu.enqueue_dma source(%arg14 : memref<64x768xf32, #tpu.memory_space<vmem>>) target(%dma_start3A_348 : memref<64x768xf32, #tpu.memory_space<hbm>>) target_semaphore(%arg18 : memref<!tpu.dma_semaphore, #tpu.memory_space<semaphore_mem>>)
    %dma_start3A_349 = arith.constant 0 : i32
    %dma_start3A_350 = tpu.memref_slice %arg9[%add3A_344, %dma_start3A_349] : memref<8192x768xf32, #tpu.memory_space<hbm>> -> memref<64x768xf32, #tpu.memory_space<hbm>>
    %dma_start3A_351 = arith.constant 0 : i32
    %dma_start3A_352 = tpu.memref_slice %arg9[%add3A_344, %dma_start3A_351] : memref<8192x768xf32, #tpu.memory_space<hbm>> -> memref<64x768xf32, #tpu.memory_space<hbm>>
    tpu.enqueue_dma source(%arg14 : memref<64x768xf32, #tpu.memory_space<vmem>>) target(%dma_start3A_352 : memref<64x768xf32, #tpu.memory_space<hbm>>) target_semaphore(%arg18 : memref<!tpu.dma_semaphore, #tpu.memory_space<semaphore_mem>>)
    %dma_wait3A_353 = arith.constant 0 : i32
    %dma_wait3A_354 = tpu.memref_slice %arg8[%add3A_329, %dma_wait3A_353] : memref<8192x768xf32, #tpu.memory_space<hbm>> -> memref<64x768xf32, #tpu.memory_space<hbm>>
    %dma_wait3A_355 = arith.constant 0 : i32
    %dma_wait3A_356 = tpu.memref_slice %arg8[%add3A_329, %dma_wait3A_355] : memref<8192x768xf32, #tpu.memory_space<hbm>> -> memref<64x768xf32, #tpu.memory_space<hbm>>
    tpu.wait_dma2 semaphore(%arg17 : memref<!tpu.dma_semaphore, #tpu.memory_space<semaphore_mem>>) src(%arg13 : memref<64x768xf32, #tpu.memory_space<vmem>>) dst(%dma_wait3A_356 : memref<64x768xf32, #tpu.memory_space<hbm>>)
    %dma_wait3A_357 = arith.constant 0 : i32
    %dma_wait3A_358 = tpu.memref_slice %arg9[%add3A_329, %dma_wait3A_357] : memref<8192x768xf32, #tpu.memory_space<hbm>> -> memref<64x768xf32, #tpu.memory_space<hbm>>
    %dma_wait3A_359 = arith.constant 0 : i32
    %dma_wait3A_360 = tpu.memref_slice %arg9[%add3A_329, %dma_wait3A_359] : memref<8192x768xf32, #tpu.memory_space<hbm>> -> memref<64x768xf32, #tpu.memory_space<hbm>>
    tpu.wait_dma2 semaphore(%arg17 : memref<!tpu.dma_semaphore, #tpu.memory_space<semaphore_mem>>) src(%arg13 : memref<64x768xf32, #tpu.memory_space<vmem>>) dst(%dma_wait3A_360 : memref<64x768xf32, #tpu.memory_space<hbm>>)
    %dma_wait3A_361 = arith.constant 0 : i32
    %dma_wait3A_362 = tpu.memref_slice %arg8[%add3A_344, %dma_wait3A_361] : memref<8192x768xf32, #tpu.memory_space<hbm>> -> memref<64x768xf32, #tpu.memory_space<hbm>>
    %dma_wait3A_363 = arith.constant 0 : i32
    %dma_wait3A_364 = tpu.memref_slice %arg8[%add3A_344, %dma_wait3A_363] : memref<8192x768xf32, #tpu.memory_space<hbm>> -> memref<64x768xf32, #tpu.memory_space<hbm>>
    tpu.wait_dma2 semaphore(%arg18 : memref<!tpu.dma_semaphore, #tpu.memory_space<semaphore_mem>>) src(%arg14 : memref<64x768xf32, #tpu.memory_space<vmem>>) dst(%dma_wait3A_364 : memref<64x768xf32, #tpu.memory_space<hbm>>)
    %dma_wait3A_365 = arith.constant 0 : i32
    %dma_wait3A_366 = tpu.memref_slice %arg9[%add3A_344, %dma_wait3A_365] : memref<8192x768xf32, #tpu.memory_space<hbm>> -> memref<64x768xf32, #tpu.memory_space<hbm>>
    %dma_wait3A_367 = arith.constant 0 : i32
    %dma_wait3A_368 = tpu.memref_slice %arg9[%add3A_344, %dma_wait3A_367] : memref<8192x768xf32, #tpu.memory_space<hbm>> -> memref<64x768xf32, #tpu.memory_space<hbm>>
    tpu.wait_dma2 semaphore(%arg18 : memref<!tpu.dma_semaphore, #tpu.memory_space<semaphore_mem>>) src(%arg14 : memref<64x768xf32, #tpu.memory_space<vmem>>) dst(%dma_wait3A_368 : memref<64x768xf32, #tpu.memory_space<hbm>>)
    return
  }
}

</mosaic_0001>

<sc_bundles>
// kernel: kernel.3.cloned.1.call-start
scs
__scs_entry_jumppad:
0x0: {  	(pc) =	sbr.rel $0x88, $3  }
0x1: {  	(tag) =	ssettag $0x0;
	lr =	simm.s32 $0x1  }
0x2: {  	[smem:$0x3F9D] =	sst lr;
	_ =	strace $0xD0000000  }
0x3: {  	_ = 	snop  }
0x4: {  	_ = 	snop  }
0x5: {  	_ = 	snop  }
0x6: {  	_ = 	snop  }
0x7: {  	_ = 	snop  }
__scs_overlays_trampoline_lowered:
0x8: {  	[smem:$0x3FAC] =	sst s0  }
0x9: {  	[smem:$0x3FAD] =	sst s1  }
0xa: {  	[smem:$0x3FAE] =	sst s2  }
0xb: {  	[smem:$0x3FAF] =	sst s3  }
0xc: {  	[smem:$0x3FB0] =	sst s4  }
0xd: {  	[smem:$0x3FB1] =	sst s5  }
0xe: {  	[smem:$0x3FB2] =	sst s6  }
0xf: {  	[smem:$0x3FB3] =	sst s7  }
0x10: {  	[smem:$0x3FB4] =	sst s8  }
0x11: {  	[smem:$0x3FB5] =	sst s9;
	s0 =	simm.s32 @!p0 $0x0  }
0x12: {  	s1 =	sld [smem:$0x3F9B];
	s0 =	simm.s32 @p0 $0x1  }
0x13: {  	[smem:$0x3FB6] =	sst s0;
	s0 =	simm.s32 @!p1 $0x0  }
0x14: {  	s2 =	sld [smem:$0x3F9A];
	s0 =	simm.s32 @p1 $0x1  }
0x15: {  	[smem:$0x3FB7] =	sst s0;
	s0 =	simm.s32 @!p2 $0x0  }
0x16: {  	s3 =	sld [smem:$0x3FDB];
	s0 =	simm.s32 @p2 $0x1  }
0x17: {  	s4 =	simm.s32 $0x1BF5;
	[smem:$0x3FB9] =	sst s0  }
0x18: {  	s0 =	sld [smem:$0x3F9C];
	_ =	swait.ge [sflag:s4], $0x0  }
0x19: {  	s7 =	sld [smem:$0x3F9D]  }
0x1a: {  	s8 =	sadd.s32 $0xFFFFE003, lr  }
0x1b: {  	s9 =	sadd.s32 $0xFFFFFEF7, lr;
	s5 =	simm.s32 $0xFFFFFFFF;
	p2 =	slt.u32 s8, $0xFFFFF086  }
0x1c: {  	p1 =	slt.u32 s9, $0xF7A;
	s5 =	simm.s32 @!p2 $0x0  }
0x1d: {  	s5 =	simm.s32 @p1 $0x1;
	p0 =	seq.s32 s7, s2  }
0x1e: {  	s7 =	smul.u32 @!p0 $0xF7A, s2;
	p2 =	seq.s32 @!p0 s5, $0x0  }
0x1f: {  	s9 =	smul.u32 $0xF7A, s1;
	s8 =	simm.s32 @!p0 $0x1BF5;
	p2 =	por !p2, p0  }
0x20: {  	[sflag:s8] =	ssyncset.s32 @!p0 $0xFFFFF086;
	s6 =	sadd.s32 @!p0 s3, s7;
	s7 =	simm.s32 @!p0 $0x108  }
0x21: {  	s3 =	sadd.s32 s3, s9;
	s6 =	sadd.s32 @!p0 $0x88, s6;
	s7 =	simm.s32 @p2 $0x1082  }
0x22: {  	[simem:s7], [sflag:s8] =	dma.local @!p0 [hbm:s6], $0xF7A  }
0x23: {  	s9 =	sor.u32 $0xD0000000, s2;
	s6 =	simm.s32 $0x108;
	_ =	swait.ge @!p0 [sflag:s8], $0x0  }
0x24: {  	s3 =	sadd.s32 $0x88, s3;
	s6 =	simm.s32 @!p1 $0x1082;
	[sflag:s4] =	ssyncset.s32 $0xFFFFF086  }
0x25: {  	[simem:s6], [sflag:s4] =	dma.local [hbm:s3], $0xF7A  }
0x26: {  	[smem:$0x3F9D] =	sst s1;
	(tag) =	ssettag s2;
	_ =	strace s9  }
0x27: {  	s1 =	sld [smem:$0x3FAD]  }
0x28: {  	s2 =	sld [smem:$0x3FAE]  }
0x29: {  	s4 =	sld [smem:$0x3FB0]  }
0x2a: {  	p0 =	seq.s32 s5, $0x0;
	s5 =	sld [smem:$0x3FB1]  }
0x2b: {  	s6 =	sld [smem:$0x3FB2]  }
0x2c: {  	s7 =	sld [smem:$0x3FB3]  }
0x2d: {  	s3 =	simm.s32 $0x108;
	s8 =	sld [smem:$0x3FB4]  }
0x2e: {  	s3 =	simm.s32 @!p0 $0x1082;
	s9 =	sld [smem:$0x3FB5]  }
0x2f: {  	lr =	sadd.s32 s0, s3;
	s0 =	sld [smem:$0x3FAC]  }
0x30: {  	s3 =	sld [smem:$0x3FAF]  }
0x31: {  	[smem:$0x3FB8] =	sst s10  }
0x32: {  	s10 =	sld [smem:$0x3FB6];
	_ =	sdelay $0x3  }
0x33: {  	p0 =	seq.s32 s10, $0x1;
	s10 =	sld [smem:$0x3FB8];
	_ =	sdelay $0x3  }
0x34: {  	[smem:$0x3FB8] =	sst s10  }
0x35: {  	s10 =	sld [smem:$0x3FB7];
	_ =	sdelay $0x3  }
0x36: {  	p1 =	seq.s32 s10, $0x1;
	s10 =	sld [smem:$0x3FB8];
	_ =	sdelay $0x3  }
0x37: {  	[smem:$0x3FB8] =	sst s10  }
0x38: {  	s10 =	sld [smem:$0x3FB9]  }
0x39: {  	_ = 	snop;
	(pc) =	sbr.ind lr, $3  }
0x3a: {  	_ = 	snop  }
0x3b: {  	_ = 	snop  }
0x3c: {  	p2 =	seq.s32 s10, $0x1;
	s10 =	sld [smem:$0x3FB8]  }
0x3d: {  	_ =	shalt  }
0x3e: {  	_ =	shalt  }
0x3f: {  	_ =	shalt  }
0x40: {  	_ =	shalt  }
0x41: {  	_ =	shalt  }
0x42: {  	_ =	shalt  }
0x43: {  	_ =	shalt  }
0x44: {  	_ =	shalt  }
0x45: {  	_ =	shalt  }
0x46: {  	_ =	shalt  }
0x47: {  	_ =	shalt  }
0x48: {  	_ =	shalt  }
0x49: {  	_ =	shalt  }
0x4a: {  	_ =	shalt  }
0x4b: {  	_ =	shalt  }
0x4c: {  	_ =	shalt  }
0x4d: {  	_ =	shalt  }
0x4e: {  	_ =	shalt  }
0x4f: {  	_ =	shalt  }
0x50: {  	_ =	shalt  }
0x51: {  	_ =	shalt  }
0x52: {  	_ =	shalt  }
0x53: {  	_ =	shalt  }
0x54: {  	_ =	shalt  }
0x55: {  	_ =	shalt  }
0x56: {  	_ =	shalt  }
0x57: {  	_ =	shalt  }
0x58: {  	_ =	shalt  }
0x59: {  	_ =	shalt  }
0x5a: {  	_ =	shalt  }
0x5b: {  	_ =	shalt  }
0x5c: {  	_ =	shalt  }
0x5d: {  	_ =	shalt  }
0x5e: {  	_ =	shalt  }
0x5f: {  	_ =	shalt  }
0x60: {  	_ =	shalt  }
0x61: {  	_ =	shalt  }
0x62: {  	_ =	shalt  }
0x63: {  	_ =	shalt  }
0x64: {  	_ =	shalt  }
0x65: {  	_ =	shalt  }
0x66: {  	_ =	shalt  }
0x67: {  	_ =	shalt  }
0x68: {  	_ =	shalt  }
0x69: {  	_ =	shalt  }
0x6a: {  	_ =	shalt  }
0x6b: {  	_ =	shalt  }
0x6c: {  	_ =	shalt  }
0x6d: {  	_ =	shalt  }
0x6e: {  	_ =	shalt  }
0x6f: {  	_ =	shalt  }
0x70: {  	_ =	shalt  }
0x71: {  	_ =	shalt  }
0x72: {  	_ =	shalt  }
0x73: {  	_ =	shalt  }
0x74: {  	_ =	shalt  }
0x75: {  	_ =	shalt  }
0x76: {  	_ =	shalt  }
0x77: {  	_ =	shalt  }
0x78: {  	_ =	shalt  }
0x79: {  	_ =	shalt  }
0x7a: {  	_ =	shalt  }
0x7b: {  	_ =	shalt  }
0x7c: {  	_ =	shalt  }
0x7d: {  	_ =	shalt  }
0x7e: {  	_ =	shalt  }
0x7f: {  	_ =	shalt  }
0x80: {  	_ =	shalt  }
0x81: {  	_ =	shalt  }
0x82: {  	_ =	shalt  }
0x83: {  	_ =	shalt  }
0x84: {  	_ =	shalt  }
0x85: {  	_ =	shalt  }
0x86: {  	_ =	shalt  }
0x87: {  	_ =	shalt  }
.Lfunc_end0:
.L_simem_size_0:
called_computation_lowered:
.L_overlay_start_0:
0x88: {  	s2 =	sld [smem:$0x3FD9]  }
0x89: {  	s3 =	sld [smem:$0x3FFE];
	_ =	sdelay $0x1  }
0x8a: {  	s1 =	srdreg.scid  }
0x8b: {  	s0 =	sand.u32 $0x1, s1  }
0x8c: {  	s15 =	sshll.u32 s0, $0xA;
	s2 =	sadd.s32 s3, s2  }
0x8d: {  	s2 =	sadd.s32 s2, s15  }
0x8e: {  	[smem:$0x3FC4] =	sst s2  }
0x8f: {  	_ = 	snop  }
0x90: {  	s2 =	sld [smem:$0x3FC9]  }
0x91: {  	s16 =	sld [smem:$0x3FD0]  }
0x92: {  	s4 =	sld [smem:$0x3FC8]  }
0x93: {  	s5 =	sld [smem:$0x3FC7]  }
0x94: {  	s7 =	simm.s32 $0xA;
	s8 =	simm.s32 $0x10;
	s6 =	sld [smem:$0x3FC6]  }
0x95: {  	[smem:s8], [sflag:s7] =	dma.local [hbm:s16], $0x1  }
0x96: {  	_ =	swait.eq [sflag:s7], $0x1  }
0x97: {  	s17 =	sld [smem:$0x10]  }
0x98: {  	s18 =	sld [smem:$0x11]  }
0x99: {  	s9 =	sld [smem:$0x12]  }
0x9a: {  	s10 =	sld [smem:$0x13];
	[sflag:s7] =	ssyncset.done $0x0  }
0x9b: {  	s11 =	sld [smem:$0x14];
	[sflag:s7] =	ssyncadd.s32 $0xFFFFFFFF  }
0x9c: {  	s19 =	sld [smem:$0x15];
	(tm) =	ssettm $0x1  }
0x9d: {  	s12 =	sld [smem:$0x3FFB];
	_ =	sdelay $0x3  }
0x9e: {  	_ =	strace s12  }
0x9f: {  	s12 =	sld [smem:$0x3FFC];
	_ =	sdelay $0x3  }
0xa0: {  	_ =	strace s12  }
0xa1: {  	s12 =	sld [smem:$0x3FFD];
	_ =	sdelay $0x3  }
0xa2: {  	_ =	strace s12  }
0xa3: {  	_ =	strace $0x8FFFFFFF  }
0xa4: {  	s20 =	sld [smem:$0x3FDB];
	_ =	sdelay $0x1  }
0xa5: {  	s13 =	simm.s32 $_scs_section_size  }
0xa6: {  	s14 =	simm.s32 $_size__tile_overlayer_lowered;
	s15 =	simm.s32 $_tile_overlayer_lowered  }
0xa7: {  	s23 =	simm.s32 $0x1BFF;
	s22 =	sshll.u32 s15, $0x1;
	s12 =	sadd.s32 s13, s20  }
0xa8: {  	s21 =	sshll.u32 s14, $0x1;
	s16 =	simm.s32 $0x0;
	s14 =	sadd.s32 s22, s12  }
0xa9: {  	[timem:s16], [sflag:s23] =	dma.local [hbm:s14], s21  }
0xaa: {  	_ =	swait.ge [sflag:s23], s21  }
0xab: {  	s13 =	ssub.s32 $0x0, s21;
	[sflag:s23] =	ssyncset.done $0x0  }
0xac: {  	[sflag:s23] =	ssyncadd.s32 s13;
	_ =	sdelay $0x1  }
0xad: {  	s24 =	simm.s32 $0x1B8B  }
0xae: {  	_ =	swait.ge [sflag:s24], $0x1  }
0xaf: {  	[sflag:s24] =	ssyncset.done $0x0  }
0xb0: {  	s25 =	simm.s32 $0x1B8E;
	[sflag:s24] =	ssyncadd.s32 $0xFFFFFFFF  }
0xb1: {  	s26 =	simm.s32 $execute0_lowered;
	[smem:$0x3FD2] =	sst s25  }
0xb2: {  	s13 =	sshll.u32 s26, $0x1;
	_ =	strace $0x80000046;
	[dreg:$0x1] =	wrdreg $0xFFFFFFFF  }
0xb3: {  	s28 =	simm.s32 $_size_execute0_lowered;
	s12 =	sadd.s32 s12, s13;
	[dreg:$0x0] =	wrdreg $0x0  }
0xb4: {  	s13 =	sshll.u32 s28, $0x1;
	[dreg:$0x2] =	wrdreg s12  }
0xb5: {  	[dreg:$0x3] =	wrdreg s13  }
0xb6: {  	[dreg:$0x4] =	wrdreg $0xC0  }
0xb7: {  	_ =	task [dreg:s16], $0x5FFFF  }
0xb8: {  	[dreg:$0x1] =	wrdreg $0xFFFFFFFF  }
0xb9: {  	[dreg:$0x0] =	wrdreg $0x60  }
0xba: {  	[dreg:$0x2] =	wrdreg s2  }
0xbb: {  	[dreg:$0x3] =	wrdreg s4  }
0xbc: {  	[dreg:$0x4] =	wrdreg s5  }
0xbd: {  	[dreg:$0x5] =	wrdreg s6  }
0xbe: {  	[dreg:$0x6] =	wrdreg s17  }
0xbf: {  	[dreg:$0x7] =	wrdreg s18  }
0xc0: {  	[dreg:$0x8] =	wrdreg s9  }
0xc1: {  	[dreg:$0x9] =	wrdreg s10  }
0xc2: {  	[dreg:$0xa] =	wrdreg s11  }
0xc3: {  	[dreg:$0xb] =	wrdreg s19  }
0xc4: {  	[dreg:$0xc] =	wrdreg $0x9  }
0xc5: {  	_ =	task.clear_ibuf [dreg:s16], $0xDFFFF;
	_ =	strace $0x90000046  }
0xc6: {  	s29 =	simm.s32 $0x9;
	_ =	strace $0x80000048  }
0xc7: {  	_ =	swait.ge [sflag:s29], $0x1  }
0xc8: {  	[sflag:s29] =	ssyncadd.s32 $0xFFFFFFFF  }
0xc9: {  	_ =	strace $0x90000048  }
0xca: {  	_ =	sfence  }
0xcb: {  	s30 =	sld [smem:$0x0];
	_ =	sdelay $0x2  }
0xcc: {  	s31 =	sshll.u32 s1, $0xD;
	s1 =	sshrl.u32 s1, $0x2  }
0xcd: {  	s3 =	sand.u32 $0x4000, s31;
	s1 =	sadd.s32 s1, s30  }
0xce: {  	s0 =	sor.u32 s3, s0;
	s1 =	sshll.u32 s1, $0x11  }
0xcf: {  	s0 =	sor.u32 s1, s0  }
0xd0: {  	s0 =	sadd.s32 $0x8F2B, s0  }
0xd1: {  	[sflag:s0] =	ssyncadd.remote.s32 $0x1  }
0xd2: {  	_ =	sfence.sel $0xFFFF  }
0xd3: {  	[dreg:$0x0] =	wrdreg $0xFFFFFFFF;
	(pc) =	sbr.abs _section_cstart, $3  }
0xd4: {  	[dreg:$0x1] =	wrdreg $0xFFFFFFFF  }
0xd5: {  	_ =	task.clear_ibuf [dreg:s16], $0x2FFFF;
	_ =	strace $0x9FFFFFFF  }
0xd6: {  	(tm) =	ssettm $0x7FFFFFFF  }
0xd7: {  	_ =	shalt  }
tec
execute0_lowered:
.L_overlay_start_1:
0x0: {  	(tag) =	ssettag $0x1  }
0x1: {  	s6 =	rddreg [dreg:$0x0]  }
0x2: {  	s0 =	rddreg [dreg:$0x1]  }
0x3: {  	s1 =	rddreg [dreg:$0x2]  }
0x4: {  	s2 =	rddreg [dreg:$0x3]  }
0x5: {  	s7 =	rddreg [dreg:$0x4]  }
0x6: {  	s8 =	rddreg [dreg:$0x5]  }
0x7: {  	s4 =	rddreg [dreg:$0x6]  }
0x8: {  	s3 =	rddreg [dreg:$0x7]  }
0x9: {  	s5 =	srdreg.scid;
	s13 =	stileid.u32  }
0xa: {  	s9 =	rddreg [dreg:$0x8];
	s11 =	sand.u32 $0x1, s5;
	s12 =	sshll.u32 s13, $0x1  }
0xb: {  	s10 =	rddreg [dreg:$0x9];
	s13 =	sshll.u32 s13, $0x2;
	s12 =	sor.u32 s11, s12  }
0xc: {  	s5 =	simm.s32 $0x0;
	s13 =	sand.u32 $0x30, s13;
	s14 =	sshll.u32 s12, $0x7  }
0xd: {  	s6 =	sadd.s32 s6, s13;
	s13 =	smul.u32 $0x6000, s12;
	s14 =	sand.u32 $0x380, s14  }
0xe: {  	[smem:$0x7FF] =	sst s5;
	s6 =	sadd.s32 s14, s6  }
0xf: {  	_ =	strace $0x80000047;
	s17 =	sadd.s32 s7, s13;
	[dreg:$0xb] =	wrdreg s6  }
0x10: {  	s18 =	sadd.s32 s10, s13;
	[dreg:$0xc] =	wrdreg s17  }
0x11: {  	s25 =	sadd.s32 s8, s13;
	[dreg:$0xd] =	wrdreg s18  }
0x12: {  	s14 =	sor.u32 $0x1800, s13;
	s26 =	sadd.s32 s9, s13;
	[dreg:$0x14] =	wrdreg s25  }
0x13: {  	s12 =	smul.u32 $0x30000, s12;
	s19 =	sadd.s32 s7, s14;
	[dreg:$0x15] =	wrdreg s26  }
0x14: {  	s20 =	sadd.s32 s10, s14;
	[dreg:$0xe] =	wrdreg s19  }
0x15: {  	s12 =	sshrl.u32 s12, $0x3;
	s30 =	sadd.s32 s8, s14;
	[dreg:$0xf] =	wrdreg s20  }
0x16: {  	s15 =	sadd.s32 $0x3000, s12;
	s31 =	sadd.s32 s9, s14;
	[dreg:$0x16] =	wrdreg s30  }
0x17: {  	s21 =	sadd.s32 s7, s15;
	[dreg:$0x17] =	wrdreg s31  }
0x18: {  	s12 =	sadd.s32 $0x4800, s12;
	s22 =	sadd.s32 s10, s15;
	[dreg:$0x10] =	wrdreg s21  }
0x19: {  	s23 =	sadd.s32 s7, s12;
	[dreg:$0x11] =	wrdreg s22  }
0x1a: {  	s24 =	sadd.s32 s10, s12;
	[dreg:$0x12] =	wrdreg s23  }
0x1b: {  	s28 =	simm.s32 $0x2;
	s7 =	sadd.s32 s8, s15;
	[dreg:$0x13] =	wrdreg s24  }
0x1c: {  	s29 =	simm.s32 $0x4;
	s10 =	sadd.s32 s9, s15;
	[dreg:$0x18] =	wrdreg s7  }
0x1d: {  	s18 =	ssub.s32 $0x2, s11;
	s16 =	sadd.s32 s8, s12;
	[dreg:$0x19] =	wrdreg s10  }
0x1e: {  	s6 =	sadd.s32 $0x100, s0;
	s17 =	sadd.s32 s9, s12;
	[dreg:$0x1a] =	wrdreg s16  }
0x1f: {  	s11 =	sadd.s32 $0x200, s2;
	s19 =	sadd.s32 s4, s13;
	[dreg:$0x1b] =	wrdreg s17  }
0x20: {  	s20 =	sshrl.u32 s18, $0x1;
	s25 =	sadd.s32 s4, s15;
	[dreg:$0x1c] =	wrdreg s19  }
0x21: {  	s8 =	sadd.s32 $0x100, s1;
	s26 =	sadd.s32 s3, s15;
	[smem:$0x7F8] =	sst s25  }
0x22: {  	s9 =	sadd.s32 $0x200, s1;
	s30 =	simm.s32 $0x80;
	[smem:$0x7F9] =	sst s26  }
0x23: {  	s31 =	simm.s32 $0x200;
	s21 =	sadd.s32 s3, s13;
	[smem:$0x7FC] =	sst s30  }
0x24: {  	s22 =	ssub.s32 s18, s20;
	s23 =	sadd.s32 s4, s14;
	[smem:$0x7FD] =	sst s31  }
0x25: {  	s24 =	sadd.s32 s3, s14;
	s7 =	sadd.s32 $0x200, s0;
	[dreg:$0x1d] =	wrdreg s21  }
0x26: {  	s4 =	sadd.s32 s4, s12;
	s10 =	sadd.s32 $0x100, s2;
	[dreg:$0x1e] =	wrdreg s23  }
0x27: {  	v2 =	vlaneseq.u32;
	s3 =	sadd.s32 s3, s12;
	s14 =	simm.s32 $0x100;
	[dreg:$0x1f] =	wrdreg s24  }
0x28: {  	vm0 =	vmmov $0xffff;
	v1 =	vshrl.u32 v2, $0x3;
	s19 =	simm.s32 $0xC100;
	s25 =	simm.s32 $0x1;
	[smem:$0x7FA] =	sst s4  }
0x29: {  	v0 =	vand.u32 $0x7, v2;
	v2 =	vor.u32 $0x8, v2;
	v1 =	vmul.u32 $0x8, v1;
	s26 =	simm.s32 $0x3;
	[smem:$0x7FB] =	sst s3;
	s12 =	smax.u32 s22, $0x1  }
.LBB2_1:
0x2a: {  	s31 =	sld [smem:$0x7FC]  }
0x2b: {  	s3 =	sld [smem:$0x7FD];
	_ =	sdelay $0x1  }
0x2c: {  	s30 =	rddreg [dreg:$0xb];
	s22 =	simm.s32 $0x5  }
0x2d: {  	[tilespmem:s5], [sflag:$0x5] =	stream.strided.gather [hbm4b:s30+s31], $0x100, s3, s31, $0x38;
	[tilespmem:$0x18100] =	vst v63  }
0x2e: {  	_ =	swait.ge [sflag:s22], $0x100  }
0x2f: {  	[sflag:s22] =	ssyncset.done $0x0  }
0x30: {  	[sflag:s22] =	ssyncadd.s32 $0xFFFFFF00  }
0x31: {  	v3 =	vld [tilespmem:$0x0];
	_ =	sdelay $0x4  }
0x32: {  	v4 =	vshrl.u32 v3, $0x3  }
0x33: {  	v4 =	vmul.u32 $0x30, v4  }
0x34: {  	v3 =	vand.u32 $0x7, v3  }
0x35: {  	v3 =	vor.u32 v3, v4  }
0x36: {  	v4 =	vperm.xlane v3, v0;
	_ =	sdelay $0x1  }
0x37: {  	v4 =	vadd.s32 v1, v4;
	_ =	sdelay $0x3  }
0x38: {  	v3 =	vperm.xlane v3, v2  }
0x39: {  	[tilespmem:s14], [sflag:$0x1] =	stream.indirect_vreg.gather [hbm4b:s0+s5], $0x80, v4, vm0, $0xb8;
	[tilespmem:$0x18100] =	vst v63  }
0x3a: {  	s23 =	simm.s32 $0x900;
	v3 =	vadd.s32 v1, v3  }
0x3b: {  	[tilespmem:s23], [sflag:$0x1] =	stream.indirect_vreg.gather [hbm4b:s6+s5], $0x80, v4, vm0, $0xb8;
	[tilespmem:$0x18100] =	vst v63  }
0x3c: {  	s24 =	simm.s32 $0x1100  }
0x3d: {  	[tilespmem:s24], [sflag:$0x1] =	stream.indirect_vreg.gather [hbm4b:s7+s5], $0x80, v4, vm0, $0xb8;
	[tilespmem:$0x18100] =	vst v63  }
0x3e: {  	s30 =	simm.s32 $0x1900  }
0x3f: {  	[tilespmem:s30], [sflag:$0x1] =	stream.indirect_vreg.gather [hbm4b:s0+s5], $0x80, v3, vm0, $0xb8;
	[tilespmem:$0x18100] =	vst v63  }
0x40: {  	s31 =	simm.s32 $0x2100  }
0x41: {  	[tilespmem:s31], [sflag:$0x1] =	stream.indirect_vreg.gather [hbm4b:s6+s5], $0x80, v3, vm0, $0xb8;
	[tilespmem:$0x18100] =	vst v63  }
0x42: {  	s4 =	simm.s32 $0x2900  }
0x43: {  	[tilespmem:s4], [sflag:$0x1] =	stream.indirect_vreg.gather [hbm4b:s7+s5], $0x80, v3, vm0, $0xb8;
	[tilespmem:$0x18100] =	vst v63  }
0x44: {  	v3 =	vld [tilespmem:$0x10];
	_ =	sdelay $0x4  }
0x45: {  	v17 =	vshrl.u32 v3, $0x3  }
0x46: {  	v4 =	vmul.u32 $0x30, v17  }
0x47: {  	v3 =	vand.u32 $0x7, v3  }
0x48: {  	v3 =	vor.u32 v3, v4  }
0x49: {  	v4 =	vperm.xlane v3, v0;
	_ =	sdelay $0x1  }
0x4a: {  	v4 =	vadd.s32 v1, v4;
	_ =	sdelay $0x3  }
0x4b: {  	s13 =	simm.s32 $0x3100;
	v3 =	vperm.xlane v3, v2  }
0x4c: {  	[tilespmem:s13], [sflag:$0x1] =	stream.indirect_vreg.gather [hbm4b:s0+s5], $0x80, v4, vm0, $0xb8;
	[tilespmem:$0x18100] =	vst v63  }
0x4d: {  	s15 =	simm.s32 $0x3900;
	v3 =	vadd.s32 v1, v3  }
0x4e: {  	[tilespmem:s15], [sflag:$0x1] =	stream.indirect_vreg.gather [hbm4b:s6+s5], $0x80, v4, vm0, $0xb8;
	[tilespmem:$0x18100] =	vst v63  }
0x4f: {  	s16 =	simm.s32 $0x4100  }
0x50: {  	[tilespmem:s16], [sflag:$0x1] =	stream.indirect_vreg.gather [hbm4b:s7+s5], $0x80, v4, vm0, $0xb8;
	[tilespmem:$0x18100] =	vst v63  }
0x51: {  	s17 =	simm.s32 $0x4900  }
0x52: {  	[tilespmem:s17], [sflag:$0x1] =	stream.indirect_vreg.gather [hbm4b:s0+s5], $0x80, v3, vm0, $0xb8;
	[tilespmem:$0x18100] =	vst v63  }
0x53: {  	s18 =	simm.s32 $0x5100  }
0x54: {  	[tilespmem:s18], [sflag:$0x1] =	stream.indirect_vreg.gather [hbm4b:s6+s5], $0x80, v3, vm0, $0xb8;
	[tilespmem:$0x18100] =	vst v63  }
0x55: {  	s20 =	simm.s32 $0x5900  }
0x56: {  	[tilespmem:s20], [sflag:$0x1] =	stream.indirect_vreg.gather [hbm4b:s7+s5], $0x80, v3, vm0, $0xb8;
	[tilespmem:$0x18100] =	vst v63  }
0x57: {  	v3 =	vld [tilespmem:$0x20];
	_ =	sdelay $0x4  }
0x58: {  	v18 =	vshrl.u32 v3, $0x3  }
0x59: {  	v4 =	vmul.u32 $0x30, v18  }
0x5a: {  	v3 =	vand.u32 $0x7, v3  }
0x5b: {  	v3 =	vor.u32 v3, v4  }
0x5c: {  	v4 =	vperm.xlane v3, v0;
	_ =	sdelay $0x1  }
0x5d: {  	v4 =	vadd.s32 v1, v4;
	_ =	sdelay $0x3  }
0x5e: {  	s22 =	simm.s32 $0x6100;
	v3 =	vperm.xlane v3, v2  }
0x5f: {  	[tilespmem:s22], [sflag:$0x1] =	stream.indirect_vreg.gather [hbm4b:s0+s5], $0x80, v4, vm0, $0xb8;
	[tilespmem:$0x18100] =	vst v63  }
0x60: {  	s23 =	simm.s32 $0x6900;
	v3 =	vadd.s32 v1, v3  }
0x61: {  	[tilespmem:s23], [sflag:$0x1] =	stream.indirect_vreg.gather [hbm4b:s6+s5], $0x80, v4, vm0, $0xb8;
	[tilespmem:$0x18100] =	vst v63  }
0x62: {  	s24 =	simm.s32 $0x7100  }
0x63: {  	[tilespmem:s24], [sflag:$0x1] =	stream.indirect_vreg.gather [hbm4b:s7+s5], $0x80, v4, vm0, $0xb8;
	[tilespmem:$0x18100] =	vst v63  }
0x64: {  	s30 =	simm.s32 $0x7900  }
0x65: {  	[tilespmem:s30], [sflag:$0x1] =	stream.indirect_vreg.gather [hbm4b:s0+s5], $0x80, v3, vm0, $0xb8;
	[tilespmem:$0x18100] =	vst v63  }
0x66: {  	s31 =	simm.s32 $0x8100  }
0x67: {  	[tilespmem:s31], [sflag:$0x1] =	stream.indirect_vreg.gather [hbm4b:s6+s5], $0x80, v3, vm0, $0xb8;
	[tilespmem:$0x18100] =	vst v63  }
0x68: {  	s17 =	simm.s32 $0x8900  }
0x69: {  	[tilespmem:s17], [sflag:$0x1] =	stream.indirect_vreg.gather [hbm4b:s7+s5], $0x80, v3, vm0, $0xb8;
	[tilespmem:$0x18100] =	vst v63  }
0x6a: {  	v3 =	vld [tilespmem:$0x30];
	_ =	sdelay $0x4  }
0x6b: {  	v19 =	vshrl.u32 v3, $0x3  }
0x6c: {  	v4 =	vmul.u32 $0x30, v19  }
0x6d: {  	v3 =	vand.u32 $0x7, v3  }
0x6e: {  	v3 =	vor.u32 v3, v4  }
0x6f: {  	v4 =	vperm.xlane v3, v0;
	_ =	sdelay $0x1  }
0x70: {  	v4 =	vadd.s32 v1, v4;
	_ =	sdelay $0x3  }
0x71: {  	s18 =	simm.s32 $0x9100;
	v3 =	vperm.xlane v3, v2  }
0x72: {  	[tilespmem:s18], [sflag:$0x1] =	stream.indirect_vreg.gather [hbm4b:s0+s5], $0x80, v4, vm0, $0xb8;
	[tilespmem:$0x18100] =	vst v63  }
0x73: {  	s20 =	simm.s32 $0x9900;
	v3 =	vadd.s32 v1, v3  }
0x74: {  	[tilespmem:s20], [sflag:$0x1] =	stream.indirect_vreg.gather [hbm4b:s6+s5], $0x80, v4, vm0, $0xb8;
	[tilespmem:$0x18100] =	vst v63  }
0x75: {  	s30 =	simm.s32 $0xA100  }
0x76: {  	[tilespmem:s30], [sflag:$0x1] =	stream.indirect_vreg.gather [hbm4b:s7+s5], $0x80, v4, vm0, $0xb8;
	[tilespmem:$0x18100] =	vst v63  }
0x77: {  	s20 =	simm.s32 $0xA900  }
0x78: {  	[tilespmem:s20], [sflag:$0x1] =	stream.indirect_vreg.gather [hbm4b:s0+s5], $0x80, v3, vm0, $0xb8;
	[tilespmem:$0x18100] =	vst v63  }
0x79: {  	s30 =	simm.s32 $0xB100  }
0x7a: {  	[tilespmem:s30], [sflag:$0x1] =	stream.indirect_vreg.gather [hbm4b:s6+s5], $0x80, v3, vm0, $0xb8;
	[tilespmem:$0x18100] =	vst v63  }
0x7b: {  	s20 =	simm.s32 $0xB900  }
0x7c: {  	[tilespmem:s20], [sflag:$0x1] =	stream.indirect_vreg.gather [hbm4b:s7+s5], $0x80, v3, vm0, $0xb8;
	[tilespmem:$0x18100] =	vst v63  }
0x7d: {  	v3 =	vld [tilespmem:$0x40];
	_ =	sdelay $0x4  }
0x7e: {  	v20 =	vshrl.u32 v3, $0x3  }
0x7f: {  	v4 =	vmul.u32 $0x30, v20  }
0x80: {  	v3 =	vand.u32 $0x7, v3  }
0x81: {  	v3 =	vor.u32 v3, v4  }
0x82: {  	v4 =	vperm.xlane v3, v0;
	_ =	sdelay $0x1  }
0x83: {  	v4 =	vadd.s32 v1, v4;
	_ =	sdelay $0x3  }
0x84: {  	v3 =	vperm.xlane v3, v2  }
0x85: {  	[tilespmem:s19], [sflag:$0x2] =	stream.indirect_vreg.gather [hbm4b:s0+s5], $0x80, v4, vm0, $0xb8;
	[tilespmem:$0x18100] =	vst v63  }
0x86: {  	s30 =	simm.s32 $0xC900;
	v3 =	vadd.s32 v1, v3  }
0x87: {  	[tilespmem:s30], [sflag:$0x2] =	stream.indirect_vreg.gather [hbm4b:s6+s5], $0x80, v4, vm0, $0xb8;
	[tilespmem:$0x18100] =	vst v63  }
0x88: {  	s30 =	simm.s32 $0xD100  }
0x89: {  	[tilespmem:s30], [sflag:$0x2] =	stream.indirect_vreg.gather [hbm4b:s7+s5], $0x80, v4, vm0, $0xb8;
	[tilespmem:$0x18100] =	vst v63  }
0x8a: {  	s30 =	simm.s32 $0xD900  }
0x8b: {  	[tilespmem:s30], [sflag:$0x2] =	stream.indirect_vreg.gather [hbm4b:s0+s5], $0x80, v3, vm0, $0xb8;
	[tilespmem:$0x18100] =	vst v63  }
0x8c: {  	s30 =	simm.s32 $0xE100  }
0x8d: {  	[tilespmem:s30], [sflag:$0x2] =	stream.indirect_vreg.gather [hbm4b:s6+s5], $0x80, v3, vm0, $0xb8;
	[tilespmem:$0x18100] =	vst v63  }
0x8e: {  	s30 =	simm.s32 $0xE900  }
0x8f: {  	[tilespmem:s30], [sflag:$0x2] =	stream.indirect_vreg.gather [hbm4b:s7+s5], $0x80, v3, vm0, $0xb8;
	[tilespmem:$0x18100] =	vst v63  }
0x90: {  	v3 =	vld [tilespmem:$0x50];
	_ =	sdelay $0x4  }
0x91: {  	v21 =	vshrl.u32 v3, $0x3  }
0x92: {  	v4 =	vmul.u32 $0x30, v21  }
0x93: {  	v3 =	vand.u32 $0x7, v3  }
0x94: {  	v3 =	vor.u32 v3, v4  }
0x95: {  	v4 =	vperm.xlane v3, v0;
	_ =	sdelay $0x1  }
0x96: {  	v4 =	vadd.s32 v1, v4;
	_ =	sdelay $0x3  }
0x97: {  	s30 =	simm.s32 $0xF100;
	v3 =	vperm.xlane v3, v2  }
0x98: {  	[tilespmem:s30], [sflag:$0x2] =	stream.indirect_vreg.gather [hbm4b:s0+s5], $0x80, v4, vm0, $0xb8;
	[tilespmem:$0x18100] =	vst v63  }
0x99: {  	v3 =	vadd.s32 v1, v3;
	s30 =	simm.s32 $0xF900  }
0x9a: {  	[tilespmem:s30], [sflag:$0x2] =	stream.indirect_vreg.gather [hbm4b:s6+s5], $0x80, v4, vm0, $0xb8;
	[tilespmem:$0x18100] =	vst v63  }
0x9b: {  	s30 =	simm.s32 $0x10100  }
0x9c: {  	[tilespmem:s30], [sflag:$0x2] =	stream.indirect_vreg.gather [hbm4b:s7+s5], $0x80, v4, vm0, $0xb8;
	[tilespmem:$0x18100] =	vst v63  }
0x9d: {  	s30 =	simm.s32 $0x10900  }
0x9e: {  	[tilespmem:s30], [sflag:$0x2] =	stream.indirect_vreg.gather [hbm4b:s0+s5], $0x80, v3, vm0, $0xb8;
	[tilespmem:$0x18100] =	vst v63  }
0x9f: {  	s30 =	simm.s32 $0x11100  }
0xa0: {  	[tilespmem:s30], [sflag:$0x2] =	stream.indirect_vreg.gather [hbm4b:s6+s5], $0x80, v3, vm0, $0xb8;
	[tilespmem:$0x18100] =	vst v63  }
0xa1: {  	s30 =	simm.s32 $0x11900  }
0xa2: {  	[tilespmem:s30], [sflag:$0x2] =	stream.indirect_vreg.gather [hbm4b:s7+s5], $0x80, v3, vm0, $0xb8;
	[tilespmem:$0x18100] =	vst v63  }
0xa3: {  	v3 =	vld [tilespmem:$0x60];
	_ =	sdelay $0x4  }
0xa4: {  	v22 =	vshrl.u32 v3, $0x3  }
0xa5: {  	v4 =	vmul.u32 $0x30, v22  }
0xa6: {  	v3 =	vand.u32 $0x7, v3  }
0xa7: {  	v3 =	vor.u32 v3, v4  }
0xa8: {  	v4 =	vperm.xlane v3, v0;
	_ =	sdelay $0x1  }
0xa9: {  	v4 =	vadd.s32 v1, v4;
	_ =	sdelay $0x3  }
0xaa: {  	s30 =	simm.s32 $0x12100;
	v3 =	vperm.xlane v3, v2  }
0xab: {  	[tilespmem:s30], [sflag:$0x2] =	stream.indirect_vreg.gather [hbm4b:s0+s5], $0x80, v4, vm0, $0xb8;
	[tilespmem:$0x18100] =	vst v63  }
0xac: {  	v3 =	vadd.s32 v1, v3;
	s30 =	simm.s32 $0x12900  }
0xad: {  	[tilespmem:s30], [sflag:$0x2] =	stream.indirect_vreg.gather [hbm4b:s6+s5], $0x80, v4, vm0, $0xb8;
	[tilespmem:$0x18100] =	vst v63  }
0xae: {  	s30 =	simm.s32 $0x13100  }
0xaf: {  	[tilespmem:s30], [sflag:$0x2] =	stream.indirect_vreg.gather [hbm4b:s7+s5], $0x80, v4, vm0, $0xb8;
	[tilespmem:$0x18100] =	vst v63  }
0xb0: {  	s30 =	simm.s32 $0x13900  }
0xb1: {  	[tilespmem:s30], [sflag:$0x2] =	stream.indirect_vreg.gather [hbm4b:s0+s5], $0x80, v3, vm0, $0xb8;
	[tilespmem:$0x18100] =	vst v63  }
0xb2: {  	s30 =	simm.s32 $0x14100  }
0xb3: {  	[tilespmem:s30], [sflag:$0x2] =	stream.indirect_vreg.gather [hbm4b:s6+s5], $0x80, v3, vm0, $0xb8;
	[tilespmem:$0x18100] =	vst v63  }
0xb4: {  	s30 =	simm.s32 $0x14900  }
0xb5: {  	[tilespmem:s30], [sflag:$0x2] =	stream.indirect_vreg.gather [hbm4b:s7+s5], $0x80, v3, vm0, $0xb8;
	[tilespmem:$0x18100] =	vst v63  }
0xb6: {  	v3 =	vld [tilespmem:$0x70];
	_ =	sdelay $0x4  }
0xb7: {  	v23 =	vshrl.u32 v3, $0x3  }
0xb8: {  	v4 =	vmul.u32 $0x30, v23  }
0xb9: {  	v3 =	vand.u32 $0x7, v3  }
0xba: {  	v3 =	vor.u32 v3, v4  }
0xbb: {  	v4 =	vperm.xlane v3, v0;
	_ =	sdelay $0x1  }
0xbc: {  	v4 =	vadd.s32 v1, v4;
	_ =	sdelay $0x3  }
0xbd: {  	s30 =	simm.s32 $0x15100;
	v3 =	vperm.xlane v3, v2  }
0xbe: {  	[tilespmem:s30], [sflag:$0x2] =	stream.indirect_vreg.gather [hbm4b:s0+s5], $0x80, v4, vm0, $0xb8;
	[tilespmem:$0x18100] =	vst v63  }
0xbf: {  	v3 =	vadd.s32 v1, v3;
	s30 =	simm.s32 $0x15900  }
0xc0: {  	[tilespmem:s30], [sflag:$0x2] =	stream.indirect_vreg.gather [hbm4b:s6+s5], $0x80, v4, vm0, $0xb8;
	[tilespmem:$0x18100] =	vst v63  }
0xc1: {  	s30 =	simm.s32 $0x16100  }
0xc2: {  	[tilespmem:s30], [sflag:$0x2] =	stream.indirect_vreg.gather [hbm4b:s7+s5], $0x80, v4, vm0, $0xb8;
	[tilespmem:$0x18100] =	vst v63  }
0xc3: {  	s30 =	simm.s32 $0x16900  }
0xc4: {  	[tilespmem:s30], [sflag:$0x2] =	stream.indirect_vreg.gather [hbm4b:s0+s5], $0x80, v3, vm0, $0xb8;
	[tilespmem:$0x18100] =	vst v63  }
0xc5: {  	s30 =	simm.s32 $0x17100  }
0xc6: {  	[tilespmem:s30], [sflag:$0x2] =	stream.indirect_vreg.gather [hbm4b:s6+s5], $0x80, v3, vm0, $0xb8;
	[tilespmem:$0x18100] =	vst v63  }
0xc7: {  	s30 =	simm.s32 $0x17900  }
0xc8: {  	[tilespmem:s30], [sflag:$0x2] =	stream.indirect_vreg.gather [hbm4b:s7+s5], $0x80, v3, vm0, $0xb8;
	[tilespmem:$0x18100] =	vst v63  }
0xc9: {  	_ =	swait.ge [sflag:s25], $0xC000  }
0xca: {  	[sflag:s25] =	ssyncset.done $0x0  }
0xcb: {  	s3 =	rddreg [dreg:$0xc];
	[sflag:s25] =	ssyncadd.s32 $0xFFFF4000  }
0xcc: {  	[hbm4b:s3+s5] =	stream.linear.scatter [tilespmem:s14], [sflag:$0x3], $0xC000, $0x38;
	[tilespmem:$0x18100] =	vst v63  }
0xcd: {  	s30 =	rddreg [dreg:$0xd]  }
0xce: {  	[hbm4b:s30+s5] =	stream.linear.scatter [tilespmem:s14], [sflag:$0x3], $0xC000, $0x38;
	[tilespmem:$0x18100] =	vst v63  }
0xcf: {  	_ =	swait.ge [sflag:s26], $0xC000  }
0xd0: {  	[sflag:s26] =	ssyncset.done $0x0  }
0xd1: {  	[sflag:s26] =	ssyncadd.s32 $0xFFFF4000  }
0xd2: {  	_ =	swait.ge [sflag:s26], $0xC000  }
0xd3: {  	[sflag:s26] =	ssyncset.done $0x0  }
0xd4: {  	[sflag:s26] =	ssyncadd.s32 $0xFFFF4000  }
0xd5: {  	v3 =	vld [tilespmem:$0x80];
	_ =	sdelay $0x4  }
0xd6: {  	v24 =	vshrl.u32 v3, $0x3  }
0xd7: {  	v4 =	vmul.u32 $0x30, v24  }
0xd8: {  	v3 =	vand.u32 $0x7, v3  }
0xd9: {  	v3 =	vor.u32 v3, v4  }
0xda: {  	v4 =	vperm.xlane v3, v0;
	_ =	sdelay $0x1  }
0xdb: {  	v4 =	vadd.s32 v1, v4;
	_ =	sdelay $0x3  }
0xdc: {  	v3 =	vperm.xlane v3, v2  }
0xdd: {  	[tilespmem:s14], [sflag:$0x1] =	stream.indirect_vreg.gather [hbm4b:s0+s5], $0x80, v4, vm0, $0xb8;
	[tilespmem:$0x18100] =	vst v63  }
0xde: {  	s30 =	simm.s32 $0x900;
	v3 =	vadd.s32 v1, v3  }
0xdf: {  	[tilespmem:s30], [sflag:$0x1] =	stream.indirect_vreg.gather [hbm4b:s6+s5], $0x80, v4, vm0, $0xb8;
	[tilespmem:$0x18100] =	vst v63  }
0xe0: {  	s30 =	simm.s32 $0x1100  }
0xe1: {  	[tilespmem:s30], [sflag:$0x1] =	stream.indirect_vreg.gather [hbm4b:s7+s5], $0x80, v4, vm0, $0xb8;
	[tilespmem:$0x18100] =	vst v63  }
0xe2: {  	s30 =	simm.s32 $0x1900  }
0xe3: {  	[tilespmem:s30], [sflag:$0x1] =	stream.indirect_vreg.gather [hbm4b:s0+s5], $0x80, v3, vm0, $0xb8;
	[tilespmem:$0x18100] =	vst v63  }
0xe4: {  	s30 =	simm.s32 $0x2100  }
0xe5: {  	[tilespmem:s30], [sflag:$0x1] =	stream.indirect_vreg.gather [hbm4b:s6+s5], $0x80, v3, vm0, $0xb8;
	[tilespmem:$0x18100] =	vst v63  }
0xe6: {  	s4 =	simm.s32 $0x2900  }
0xe7: {  	[tilespmem:s4], [sflag:$0x1] =	stream.indirect_vreg.gather [hbm4b:s7+s5], $0x80, v3, vm0, $0xb8;
	[tilespmem:$0x18100] =	vst v63  }
0xe8: {  	v3 =	vld [tilespmem:$0x90];
	_ =	sdelay $0x4  }
0xe9: {  	v25 =	vshrl.u32 v3, $0x3  }
0xea: {  	v4 =	vmul.u32 $0x30, v25  }
0xeb: {  	v3 =	vand.u32 $0x7, v3  }
0xec: {  	v3 =	vor.u32 v3, v4  }
0xed: {  	v4 =	vperm.xlane v3, v0;
	_ =	sdelay $0x1  }
0xee: {  	v4 =	vadd.s32 v1, v4;
	_ =	sdelay $0x3  }
0xef: {  	s13 =	simm.s32 $0x3100;
	v3 =	vperm.xlane v3, v2  }
0xf0: {  	[tilespmem:s13], [sflag:$0x1] =	stream.indirect_vreg.gather [hbm4b:s0+s5], $0x80, v4, vm0, $0xb8;
	[tilespmem:$0x18100] =	vst v63  }
0xf1: {  	s30 =	simm.s32 $0x3900;
	v3 =	vadd.s32 v1, v3  }
0xf2: {  	[tilespmem:s30], [sflag:$0x1] =	stream.indirect_vreg.gather [hbm4b:s6+s5], $0x80, v4, vm0, $0xb8;
	[tilespmem:$0x18100] =	vst v63  }
0xf3: {  	s4 =	simm.s32 $0x4100  }
0xf4: {  	[tilespmem:s4], [sflag:$0x1] =	stream.indirect_vreg.gather [hbm4b:s7+s5], $0x80, v4, vm0, $0xb8;
	[tilespmem:$0x18100] =	vst v63  }
0xf5: {  	s13 =	simm.s32 $0x4900  }
0xf6: {  	[tilespmem:s13], [sflag:$0x1] =	stream.indirect_vreg.gather [hbm4b:s0+s5], $0x80, v3, vm0, $0xb8;
	[tilespmem:$0x18100] =	vst v63  }
0xf7: {  	s21 =	simm.s32 $0x5100  }
0xf8: {  	[tilespmem:s21], [sflag:$0x1] =	stream.indirect_vreg.gather [hbm4b:s6+s5], $0x80, v3, vm0, $0xb8;
	[tilespmem:$0x18100] =	vst v63  }
0xf9: {  	s15 =	simm.s32 $0x5900  }
0xfa: {  	[tilespmem:s15], [sflag:$0x1] =	stream.indirect_vreg.gather [hbm4b:s7+s5], $0x80, v3, vm0, $0xb8;
	[tilespmem:$0x18100] =	vst v63  }
0xfb: {  	v3 =	vld [tilespmem:$0xA0];
	_ =	sdelay $0x4  }
0xfc: {  	v26 =	vshrl.u32 v3, $0x3  }
0xfd: {  	v4 =	vmul.u32 $0x30, v26  }
0xfe: {  	v3 =	vand.u32 $0x7, v3  }
0xff: {  	v3 =	vor.u32 v3, v4  }
0x100: {  	v4 =	vperm.xlane v3, v0;
	_ =	sdelay $0x1  }
0x101: {  	v4 =	vadd.s32 v1, v4;
	_ =	sdelay $0x3  }
0x102: {  	s16 =	simm.s32 $0x6100;
	v3 =	vperm.xlane v3, v2  }
0x103: {  	[tilespmem:s16], [sflag:$0x1] =	stream.indirect_vreg.gather [hbm4b:s0+s5], $0x80, v4, vm0, $0xb8;
	[tilespmem:$0x18100] =	vst v63  }
0x104: {  	s22 =	simm.s32 $0x6900;
	v3 =	vadd.s32 v1, v3  }
0x105: {  	[tilespmem:s22], [sflag:$0x1] =	stream.indirect_vreg.gather [hbm4b:s6+s5], $0x80, v4, vm0, $0xb8;
	[tilespmem:$0x18100] =	vst v63  }
0x106: {  	s23 =	simm.s32 $0x7100  }
0x107: {  	[tilespmem:s23], [sflag:$0x1] =	stream.indirect_vreg.gather [hbm4b:s7+s5], $0x80, v4, vm0, $0xb8;
	[tilespmem:$0x18100] =	vst v63  }
0x108: {  	s24 =	simm.s32 $0x7900  }
0x109: {  	[tilespmem:s24], [sflag:$0x1] =	stream.indirect_vreg.gather [hbm4b:s0+s5], $0x80, v3, vm0, $0xb8;
	[tilespmem:$0x18100] =	vst v63  }
0x10a: {  	s31 =	simm.s32 $0x8100  }
0x10b: {  	[tilespmem:s31], [sflag:$0x1] =	stream.indirect_vreg.gather [hbm4b:s6+s5], $0x80, v3, vm0, $0xb8;
	[tilespmem:$0x18100] =	vst v63  }
0x10c: {  	s17 =	simm.s32 $0x8900  }
0x10d: {  	[tilespmem:s17], [sflag:$0x1] =	stream.indirect_vreg.gather [hbm4b:s7+s5], $0x80, v3, vm0, $0xb8;
	[tilespmem:$0x18100] =	vst v63  }
0x10e: {  	v3 =	vld [tilespmem:$0xB0];
	_ =	sdelay $0x4  }
0x10f: {  	v27 =	vshrl.u32 v3, $0x3  }
0x110: {  	v4 =	vmul.u32 $0x30, v27  }
0x111: {  	v3 =	vand.u32 $0x7, v3  }
0x112: {  	v3 =	vor.u32 v3, v4  }
0x113: {  	v4 =	vperm.xlane v3, v0;
	_ =	sdelay $0x1  }
0x114: {  	v4 =	vadd.s32 v1, v4;
	_ =	sdelay $0x3  }
0x115: {  	s18 =	simm.s32 $0x9100;
	v3 =	vperm.xlane v3, v2  }
0x116: {  	[tilespmem:s18], [sflag:$0x1] =	stream.indirect_vreg.gather [hbm4b:s0+s5], $0x80, v4, vm0, $0xb8;
	[tilespmem:$0x18100] =	vst v63  }
0x117: {  	s22 =	simm.s32 $0x9900;
	v3 =	vadd.s32 v1, v3  }
0x118: {  	[tilespmem:s22], [sflag:$0x1] =	stream.indirect_vreg.gather [hbm4b:s6+s5], $0x80, v4, vm0, $0xb8;
	[tilespmem:$0x18100] =	vst v63  }
0x119: {  	s23 =	simm.s32 $0xA100  }
0x11a: {  	[tilespmem:s23], [sflag:$0x1] =	stream.indirect_vreg.gather [hbm4b:s7+s5], $0x80, v4, vm0, $0xb8;
	[tilespmem:$0x18100] =	vst v63  }
0x11b: {  	s24 =	simm.s32 $0xA900  }
0x11c: {  	[tilespmem:s24], [sflag:$0x1] =	stream.indirect_vreg.gather [hbm4b:s0+s5], $0x80, v3, vm0, $0xb8;
	[tilespmem:$0x18100] =	vst v63  }
0x11d: {  	s30 =	simm.s32 $0xB100  }
0x11e: {  	[tilespmem:s30], [sflag:$0x1] =	stream.indirect_vreg.gather [hbm4b:s6+s5], $0x80, v3, vm0, $0xb8;
	[tilespmem:$0x18100] =	vst v63  }
0x11f: {  	s20 =	simm.s32 $0xB900  }
0x120: {  	[tilespmem:s20], [sflag:$0x1] =	stream.indirect_vreg.gather [hbm4b:s7+s5], $0x80, v3, vm0, $0xb8;
	[tilespmem:$0x18100] =	vst v63  }
0x121: {  	_ =	swait.ge [sflag:s28], $0xC000  }
0x122: {  	[sflag:s28] =	ssyncset.done $0x0  }
0x123: {  	s31 =	rddreg [dreg:$0xe];
	[sflag:s28] =	ssyncadd.s32 $0xFFFF4000  }
0x124: {  	[hbm4b:s31+s5] =	stream.linear.scatter [tilespmem:s19], [sflag:$0x4], $0xC000, $0x38;
	[tilespmem:$0x18100] =	vst v63  }
0x125: {  	s4 =	rddreg [dreg:$0xf]  }
0x126: {  	[hbm4b:s4+s5] =	stream.linear.scatter [tilespmem:s19], [sflag:$0x4], $0xC000, $0x38;
	[tilespmem:$0x18100] =	vst v63  }
0x127: {  	_ =	swait.ge [sflag:s29], $0xC000  }
0x128: {  	[sflag:s29] =	ssyncset.done $0x0  }
0x129: {  	[sflag:s29] =	ssyncadd.s32 $0xFFFF4000  }
0x12a: {  	_ =	swait.ge [sflag:s29], $0xC000  }
0x12b: {  	[sflag:s29] =	ssyncset.done $0x0  }
0x12c: {  	[sflag:s29] =	ssyncadd.s32 $0xFFFF4000  }
0x12d: {  	v3 =	vld [tilespmem:$0xC0];
	_ =	sdelay $0x4  }
0x12e: {  	v28 =	vshrl.u32 v3, $0x3  }
0x12f: {  	v4 =	vmul.u32 $0x30, v28  }
0x130: {  	v3 =	vand.u32 $0x7, v3  }
0x131: {  	v3 =	vor.u32 v3, v4  }
0x132: {  	v4 =	vperm.xlane v3, v0;
	_ =	sdelay $0x1  }
0x133: {  	v4 =	vadd.s32 v1, v4;
	_ =	sdelay $0x3  }
0x134: {  	v3 =	vperm.xlane v3, v2  }
0x135: {  	[tilespmem:s19], [sflag:$0x2] =	stream.indirect_vreg.gather [hbm4b:s0+s5], $0x80, v4, vm0, $0xb8;
	[tilespmem:$0x18100] =	vst v63  }
0x136: {  	s13 =	simm.s32 $0xC900;
	v3 =	vadd.s32 v1, v3  }
0x137: {  	[tilespmem:s13], [sflag:$0x2] =	stream.indirect_vreg.gather [hbm4b:s6+s5], $0x80, v4, vm0, $0xb8;
	[tilespmem:$0x18100] =	vst v63  }
0x138: {  	s15 =	simm.s32 $0xD100  }
0x139: {  	[tilespmem:s15], [sflag:$0x2] =	stream.indirect_vreg.gather [hbm4b:s7+s5], $0x80, v4, vm0, $0xb8;
	[tilespmem:$0x18100] =	vst v63  }
0x13a: {  	s16 =	simm.s32 $0xD900  }
0x13b: {  	[tilespmem:s16], [sflag:$0x2] =	stream.indirect_vreg.gather [hbm4b:s0+s5], $0x80, v3, vm0, $0xb8;
	[tilespmem:$0x18100] =	vst v63  }
0x13c: {  	s17 =	simm.s32 $0xE100  }
0x13d: {  	[tilespmem:s17], [sflag:$0x2] =	stream.indirect_vreg.gather [hbm4b:s6+s5], $0x80, v3, vm0, $0xb8;
	[tilespmem:$0x18100] =	vst v63  }
0x13e: {  	s18 =	simm.s32 $0xE900  }
0x13f: {  	[tilespmem:s18], [sflag:$0x2] =	stream.indirect_vreg.gather [hbm4b:s7+s5], $0x80, v3, vm0, $0xb8;
	[tilespmem:$0x18100] =	vst v63  }
0x140: {  	v3 =	vld [tilespmem:$0xD0];
	_ =	sdelay $0x4  }
0x141: {  	v29 =	vshrl.u32 v3, $0x3  }
0x142: {  	v4 =	vmul.u32 $0x30, v29  }
0x143: {  	v3 =	vand.u32 $0x7, v3  }
0x144: {  	v3 =	vor.u32 v3, v4  }
0x145: {  	v4 =	vperm.xlane v3, v0;
	_ =	sdelay $0x1  }
0x146: {  	v4 =	vadd.s32 v1, v4;
	_ =	sdelay $0x3  }
0x147: {  	s20 =	simm.s32 $0xF100;
	v3 =	vperm.xlane v3, v2  }
0x148: {  	[tilespmem:s20], [sflag:$0x2] =	stream.indirect_vreg.gather [hbm4b:s0+s5], $0x80, v4, vm0, $0xb8;
	[tilespmem:$0x18100] =	vst v63  }
0x149: {  	s22 =	simm.s32 $0xF900;
	v3 =	vadd.s32 v1, v3  }
0x14a: {  	[tilespmem:s22], [sflag:$0x2] =	stream.indirect_vreg.gather [hbm4b:s6+s5], $0x80, v4, vm0, $0xb8;
	[tilespmem:$0x18100] =	vst v63  }
0x14b: {  	s23 =	simm.s32 $0x10100  }
0x14c: {  	[tilespmem:s23], [sflag:$0x2] =	stream.indirect_vreg.gather [hbm4b:s7+s5], $0x80, v4, vm0, $0xb8;
	[tilespmem:$0x18100] =	vst v63  }
0x14d: {  	s24 =	simm.s32 $0x10900  }
0x14e: {  	[tilespmem:s24], [sflag:$0x2] =	stream.indirect_vreg.gather [hbm4b:s0+s5], $0x80, v3, vm0, $0xb8;
	[tilespmem:$0x18100] =	vst v63  }
0x14f: {  	s30 =	simm.s32 $0x11100  }
0x150: {  	[tilespmem:s30], [sflag:$0x2] =	stream.indirect_vreg.gather [hbm4b:s6+s5], $0x80, v3, vm0, $0xb8;
	[tilespmem:$0x18100] =	vst v63  }
0x151: {  	s31 =	simm.s32 $0x11900  }
0x152: {  	[tilespmem:s31], [sflag:$0x2] =	stream.indirect_vreg.gather [hbm4b:s7+s5], $0x80, v3, vm0, $0xb8;
	[tilespmem:$0x18100] =	vst v63  }
0x153: {  	v3 =	vld [tilespmem:$0xE0];
	_ =	sdelay $0x4  }
0x154: {  	v30 =	vshrl.u32 v3, $0x3  }
0x155: {  	v4 =	vmul.u32 $0x30, v30  }
0x156: {  	v3 =	vand.u32 $0x7, v3  }
0x157: {  	v3 =	vor.u32 v3, v4  }
0x158: {  	v4 =	vperm.xlane v3, v0;
	_ =	sdelay $0x1  }
0x159: {  	v4 =	vadd.s32 v1, v4;
	_ =	sdelay $0x3  }
0x15a: {  	s22 =	simm.s32 $0x12100;
	v3 =	vperm.xlane v3, v2  }
0x15b: {  	[tilespmem:s22], [sflag:$0x2] =	stream.indirect_vreg.gather [hbm4b:s0+s5], $0x80, v4, vm0, $0xb8;
	[tilespmem:$0x18100] =	vst v63  }
0x15c: {  	s23 =	simm.s32 $0x12900;
	v3 =	vadd.s32 v1, v3  }
0x15d: {  	[tilespmem:s23], [sflag:$0x2] =	stream.indirect_vreg.gather [hbm4b:s6+s5], $0x80, v4, vm0, $0xb8;
	[tilespmem:$0x18100] =	vst v63  }
0x15e: {  	s24 =	simm.s32 $0x13100  }
0x15f: {  	[tilespmem:s24], [sflag:$0x2] =	stream.indirect_vreg.gather [hbm4b:s7+s5], $0x80, v4, vm0, $0xb8;
	[tilespmem:$0x18100] =	vst v63  }
0x160: {  	s30 =	simm.s32 $0x13900  }
0x161: {  	[tilespmem:s30], [sflag:$0x2] =	stream.indirect_vreg.gather [hbm4b:s0+s5], $0x80, v3, vm0, $0xb8;
	[tilespmem:$0x18100] =	vst v63  }
0x162: {  	s31 =	simm.s32 $0x14100  }
0x163: {  	[tilespmem:s31], [sflag:$0x2] =	stream.indirect_vreg.gather [hbm4b:s6+s5], $0x80, v3, vm0, $0xb8;
	[tilespmem:$0x18100] =	vst v63  }
0x164: {  	s30 =	simm.s32 $0x14900  }
0x165: {  	[tilespmem:s30], [sflag:$0x2] =	stream.indirect_vreg.gather [hbm4b:s7+s5], $0x80, v3, vm0, $0xb8;
	[tilespmem:$0x18100] =	vst v63  }
0x166: {  	v3 =	vld [tilespmem:$0xF0];
	_ =	sdelay $0x4  }
0x167: {  	v31 =	vshrl.u32 v3, $0x3  }
0x168: {  	v4 =	vmul.u32 $0x30, v31  }
0x169: {  	v3 =	vand.u32 $0x7, v3  }
0x16a: {  	v3 =	vor.u32 v3, v4  }
0x16b: {  	v4 =	vperm.xlane v3, v0;
	_ =	sdelay $0x1  }
0x16c: {  	v4 =	vadd.s32 v1, v4;
	_ =	sdelay $0x3  }
0x16d: {  	s30 =	simm.s32 $0x15100;
	v3 =	vperm.xlane v3, v2  }
0x16e: {  	[tilespmem:s30], [sflag:$0x2] =	stream.indirect_vreg.gather [hbm4b:s0+s5], $0x80, v4, vm0, $0xb8;
	[tilespmem:$0x18100] =	vst v63  }
0x16f: {  	v3 =	vadd.s32 v1, v3;
	s30 =	simm.s32 $0x15900  }
0x170: {  	[tilespmem:s30], [sflag:$0x2] =	stream.indirect_vreg.gather [hbm4b:s6+s5], $0x80, v4, vm0, $0xb8;
	[tilespmem:$0x18100] =	vst v63  }
0x171: {  	s30 =	simm.s32 $0x16100  }
0x172: {  	[tilespmem:s30], [sflag:$0x2] =	stream.indirect_vreg.gather [hbm4b:s7+s5], $0x80, v4, vm0, $0xb8;
	[tilespmem:$0x18100] =	vst v63  }
0x173: {  	s30 =	simm.s32 $0x16900  }
0x174: {  	[tilespmem:s30], [sflag:$0x2] =	stream.indirect_vreg.gather [hbm4b:s0+s5], $0x80, v3, vm0, $0xb8;
	[tilespmem:$0x18100] =	vst v63  }
0x175: {  	s30 =	simm.s32 $0x17100  }
0x176: {  	[tilespmem:s30], [sflag:$0x2] =	stream.indirect_vreg.gather [hbm4b:s6+s5], $0x80, v3, vm0, $0xb8;
	[tilespmem:$0x18100] =	vst v63  }
0x177: {  	s30 =	simm.s32 $0x17900  }
0x178: {  	[tilespmem:s30], [sflag:$0x2] =	stream.indirect_vreg.gather [hbm4b:s7+s5], $0x80, v3, vm0, $0xb8;
	[tilespmem:$0x18100] =	vst v63  }
0x179: {  	_ =	swait.ge [sflag:s25], $0xC000  }
0x17a: {  	[sflag:s25] =	ssyncset.done $0x0  }
0x17b: {  	s3 =	rddreg [dreg:$0x10];
	[sflag:s25] =	ssyncadd.s32 $0xFFFF4000  }
0x17c: {  	[hbm4b:s3+s5] =	stream.linear.scatter [tilespmem:s14], [sflag:$0x3], $0xC000, $0x38;
	[tilespmem:$0x18100] =	vst v63  }
0x17d: {  	s30 =	rddreg [dreg:$0x11]  }
0x17e: {  	[hbm4b:s30+s5] =	stream.linear.scatter [tilespmem:s14], [sflag:$0x3], $0xC000, $0x38;
	[tilespmem:$0x18100] =	vst v63  }
0x17f: {  	_ =	swait.ge [sflag:s26], $0xC000  }
0x180: {  	[sflag:s26] =	ssyncset.done $0x0  }
0x181: {  	[sflag:s26] =	ssyncadd.s32 $0xFFFF4000  }
0x182: {  	_ =	swait.ge [sflag:s26], $0xC000  }
0x183: {  	[sflag:s26] =	ssyncset.done $0x0  }
0x184: {  	[sflag:s26] =	ssyncadd.s32 $0xFFFF4000  }
0x185: {  	v3 =	vld [tilespmem:$0x0];
	_ =	sdelay $0x4  }
0x186: {  	v32 =	vshrl.u32 v3, $0x3  }
0x187: {  	v4 =	vmul.u32 $0x30, v32  }
0x188: {  	v3 =	vand.u32 $0x7, v3  }
0x189: {  	v3 =	vor.u32 v3, v4  }
0x18a: {  	v4 =	vperm.xlane v3, v0;
	_ =	sdelay $0x1  }
0x18b: {  	v4 =	vadd.s32 v1, v4;
	_ =	sdelay $0x3  }
0x18c: {  	v3 =	vperm.xlane v3, v2  }
0x18d: {  	[tilespmem:s14], [sflag:$0x1] =	stream.indirect_vreg.gather [hbm4b:s1+s5], $0x80, v4, vm0, $0xb8;
	[tilespmem:$0x18100] =	vst v63  }
0x18e: {  	s30 =	simm.s32 $0x900;
	v3 =	vadd.s32 v1, v3  }
0x18f: {  	[tilespmem:s30], [sflag:$0x1] =	stream.indirect_vreg.gather [hbm4b:s8+s5], $0x80, v4, vm0, $0xb8;
	[tilespmem:$0x18100] =	vst v63  }
0x190: {  	s30 =	simm.s32 $0x1100  }
0x191: {  	[tilespmem:s30], [sflag:$0x1] =	stream.indirect_vreg.gather [hbm4b:s9+s5], $0x80, v4, vm0, $0xb8;
	[tilespmem:$0x18100] =	vst v63  }
0x192: {  	s30 =	simm.s32 $0x1900  }
0x193: {  	[tilespmem:s30], [sflag:$0x1] =	stream.indirect_vreg.gather [hbm4b:s1+s5], $0x80, v3, vm0, $0xb8;
	[tilespmem:$0x18100] =	vst v63  }
0x194: {  	s30 =	simm.s32 $0x2100  }
0x195: {  	[tilespmem:s30], [sflag:$0x1] =	stream.indirect_vreg.gather [hbm4b:s8+s5], $0x80, v3, vm0, $0xb8;
	[tilespmem:$0x18100] =	vst v63  }
0x196: {  	s30 =	simm.s32 $0x2900  }
0x197: {  	[tilespmem:s30], [sflag:$0x1] =	stream.indirect_vreg.gather [hbm4b:s9+s5], $0x80, v3, vm0, $0xb8;
	[tilespmem:$0x18100] =	vst v63  }
0x198: {  	v3 =	vld [tilespmem:$0x10];
	_ =	sdelay $0x4  }
0x199: {  	v33 =	vshrl.u32 v3, $0x3  }
0x19a: {  	v4 =	vmul.u32 $0x30, v33  }
0x19b: {  	v3 =	vand.u32 $0x7, v3  }
0x19c: {  	v3 =	vor.u32 v3, v4  }
0x19d: {  	v4 =	vperm.xlane v3, v0;
	_ =	sdelay $0x1  }
0x19e: {  	v4 =	vadd.s32 v1, v4;
	_ =	sdelay $0x3  }
0x19f: {  	s30 =	simm.s32 $0x3100;
	v3 =	vperm.xlane v3, v2  }
0x1a0: {  	[tilespmem:s30], [sflag:$0x1] =	stream.indirect_vreg.gather [hbm4b:s1+s5], $0x80, v4, vm0, $0xb8;
	[tilespmem:$0x18100] =	vst v63  }
0x1a1: {  	v3 =	vadd.s32 v1, v3;
	s30 =	simm.s32 $0x3900  }
0x1a2: {  	[tilespmem:s30], [sflag:$0x1] =	stream.indirect_vreg.gather [hbm4b:s8+s5], $0x80, v4, vm0, $0xb8;
	[tilespmem:$0x18100] =	vst v63  }
0x1a3: {  	s30 =	simm.s32 $0x4100  }
0x1a4: {  	[tilespmem:s30], [sflag:$0x1] =	stream.indirect_vreg.gather [hbm4b:s9+s5], $0x80, v4, vm0, $0xb8;
	[tilespmem:$0x18100] =	vst v63  }
0x1a5: {  	s30 =	simm.s32 $0x4900  }
0x1a6: {  	[tilespmem:s30], [sflag:$0x1] =	stream.indirect_vreg.gather [hbm4b:s1+s5], $0x80, v3, vm0, $0xb8;
	[tilespmem:$0x18100] =	vst v63  }
0x1a7: {  	s30 =	simm.s32 $0x5100  }
0x1a8: {  	[tilespmem:s30], [sflag:$0x1] =	stream.indirect_vreg.gather [hbm4b:s8+s5], $0x80, v3, vm0, $0xb8;
	[tilespmem:$0x18100] =	vst v63  }
0x1a9: {  	s30 =	simm.s32 $0x5900  }
0x1aa: {  	[tilespmem:s30], [sflag:$0x1] =	stream.indirect_vreg.gather [hbm4b:s9+s5], $0x80, v3, vm0, $0xb8;
	[tilespmem:$0x18100] =	vst v63  }
0x1ab: {  	v3 =	vld [tilespmem:$0x20];
	_ =	sdelay $0x4  }
0x1ac: {  	v34 =	vshrl.u32 v3, $0x3  }
0x1ad: {  	v4 =	vmul.u32 $0x30, v34  }
0x1ae: {  	v3 =	vand.u32 $0x7, v3  }
0x1af: {  	v3 =	vor.u32 v3, v4  }
0x1b0: {  	v4 =	vperm.xlane v3, v0;
	_ =	sdelay $0x1  }
0x1b1: {  	v4 =	vadd.s32 v1, v4;
	_ =	sdelay $0x3  }
0x1b2: {  	s30 =	simm.s32 $0x6100;
	v3 =	vperm.xlane v3, v2  }
0x1b3: {  	[tilespmem:s30], [sflag:$0x1] =	stream.indirect_vreg.gather [hbm4b:s1+s5], $0x80, v4, vm0, $0xb8;
	[tilespmem:$0x18100] =	vst v63  }
0x1b4: {  	v3 =	vadd.s32 v1, v3;
	s30 =	simm.s32 $0x6900  }
0x1b5: {  	[tilespmem:s30], [sflag:$0x1] =	stream.indirect_vreg.gather [hbm4b:s8+s5], $0x80, v4, vm0, $0xb8;
	[tilespmem:$0x18100] =	vst v63  }
0x1b6: {  	s30 =	simm.s32 $0x7100  }
0x1b7: {  	[tilespmem:s30], [sflag:$0x1] =	stream.indirect_vreg.gather [hbm4b:s9+s5], $0x80, v4, vm0, $0xb8;
	[tilespmem:$0x18100] =	vst v63  }
0x1b8: {  	s30 =	simm.s32 $0x7900  }
0x1b9: {  	[tilespmem:s30], [sflag:$0x1] =	stream.indirect_vreg.gather [hbm4b:s1+s5], $0x80, v3, vm0, $0xb8;
	[tilespmem:$0x18100] =	vst v63  }
0x1ba: {  	s30 =	simm.s32 $0x8100  }
0x1bb: {  	[tilespmem:s30], [sflag:$0x1] =	stream.indirect_vreg.gather [hbm4b:s8+s5], $0x80, v3, vm0, $0xb8;
	[tilespmem:$0x18100] =	vst v63  }
0x1bc: {  	s30 =	simm.s32 $0x8900  }
0x1bd: {  	[tilespmem:s30], [sflag:$0x1] =	stream.indirect_vreg.gather [hbm4b:s9+s5], $0x80, v3, vm0, $0xb8;
	[tilespmem:$0x18100] =	vst v63  }
0x1be: {  	v3 =	vld [tilespmem:$0x30];
	_ =	sdelay $0x4  }
0x1bf: {  	v35 =	vshrl.u32 v3, $0x3  }
0x1c0: {  	v4 =	vmul.u32 $0x30, v35  }
0x1c1: {  	v3 =	vand.u32 $0x7, v3  }
0x1c2: {  	v3 =	vor.u32 v3, v4  }
0x1c3: {  	v4 =	vperm.xlane v3, v0;
	_ =	sdelay $0x1  }
0x1c4: {  	v4 =	vadd.s32 v1, v4;
	_ =	sdelay $0x3  }
0x1c5: {  	s30 =	simm.s32 $0x9100;
	v3 =	vperm.xlane v3, v2  }
0x1c6: {  	[tilespmem:s30], [sflag:$0x1] =	stream.indirect_vreg.gather [hbm4b:s1+s5], $0x80, v4, vm0, $0xb8;
	[tilespmem:$0x18100] =	vst v63  }
0x1c7: {  	v3 =	vadd.s32 v1, v3;
	s30 =	simm.s32 $0x9900  }
0x1c8: {  	[tilespmem:s30], [sflag:$0x1] =	stream.indirect_vreg.gather [hbm4b:s8+s5], $0x80, v4, vm0, $0xb8;
	[tilespmem:$0x18100] =	vst v63  }
0x1c9: {  	s30 =	simm.s32 $0xA100  }
0x1ca: {  	[tilespmem:s30], [sflag:$0x1] =	stream.indirect_vreg.gather [hbm4b:s9+s5], $0x80, v4, vm0, $0xb8;
	[tilespmem:$0x18100] =	vst v63  }
0x1cb: {  	s30 =	simm.s32 $0xA900  }
0x1cc: {  	[tilespmem:s30], [sflag:$0x1] =	stream.indirect_vreg.gather [hbm4b:s1+s5], $0x80, v3, vm0, $0xb8;
	[tilespmem:$0x18100] =	vst v63  }
0x1cd: {  	s30 =	simm.s32 $0xB100  }
0x1ce: {  	[tilespmem:s30], [sflag:$0x1] =	stream.indirect_vreg.gather [hbm4b:s8+s5], $0x80, v3, vm0, $0xb8;
	[tilespmem:$0x18100] =	vst v63  }
0x1cf: {  	s30 =	simm.s32 $0xB900  }
0x1d0: {  	[tilespmem:s30], [sflag:$0x1] =	stream.indirect_vreg.gather [hbm4b:s9+s5], $0x80, v3, vm0, $0xb8;
	[tilespmem:$0x18100] =	vst v63  }
0x1d1: {  	_ =	swait.ge [sflag:s28], $0xC000  }
0x1d2: {  	[sflag:s28] =	ssyncset.done $0x0  }
0x1d3: {  	s3 =	rddreg [dreg:$0x12];
	[sflag:s28] =	ssyncadd.s32 $0xFFFF4000  }
0x1d4: {  	[hbm4b:s3+s5] =	stream.linear.scatter [tilespmem:s19], [sflag:$0x4], $0xC000, $0x38;
	[tilespmem:$0x18100] =	vst v63  }
0x1d5: {  	s30 =	rddreg [dreg:$0x13]  }
0x1d6: {  	[hbm4b:s30+s5] =	stream.linear.scatter [tilespmem:s19], [sflag:$0x4], $0xC000, $0x38;
	[tilespmem:$0x18100] =	vst v63  }
0x1d7: {  	_ =	swait.ge [sflag:s29], $0xC000  }
0x1d8: {  	[sflag:s29] =	ssyncset.done $0x0  }
0x1d9: {  	[sflag:s29] =	ssyncadd.s32 $0xFFFF4000  }
0x1da: {  	_ =	swait.ge [sflag:s29], $0xC000  }
0x1db: {  	[sflag:s29] =	ssyncset.done $0x0  }
0x1dc: {  	[sflag:s29] =	ssyncadd.s32 $0xFFFF4000  }
0x1dd: {  	v3 =	vld [tilespmem:$0x40];
	_ =	sdelay $0x4  }
0x1de: {  	v36 =	vshrl.u32 v3, $0x3  }
0x1df: {  	v4 =	vmul.u32 $0x30, v36  }
0x1e0: {  	v3 =	vand.u32 $0x7, v3  }
0x1e1: {  	v3 =	vor.u32 v3, v4  }
0x1e2: {  	v4 =	vperm.xlane v3, v0;
	_ =	sdelay $0x1  }
0x1e3: {  	v4 =	vadd.s32 v1, v4;
	_ =	sdelay $0x3  }
0x1e4: {  	v3 =	vperm.xlane v3, v2  }
0x1e5: {  	[tilespmem:s19], [sflag:$0x2] =	stream.indirect_vreg.gather [hbm4b:s1+s5], $0x80, v4, vm0, $0xb8;
	[tilespmem:$0x18100] =	vst v63  }
0x1e6: {  	s21 =	simm.s32 $0xC900;
	v3 =	vadd.s32 v1, v3  }
0x1e7: {  	[tilespmem:s21], [sflag:$0x2] =	stream.indirect_vreg.gather [hbm4b:s8+s5], $0x80, v4, vm0, $0xb8;
	[tilespmem:$0x18100] =	vst v63  }
0x1e8: {  	s4 =	simm.s32 $0xD100  }
0x1e9: {  	[tilespmem:s4], [sflag:$0x2] =	stream.indirect_vreg.gather [hbm4b:s9+s5], $0x80, v4, vm0, $0xb8;
	[tilespmem:$0x18100] =	vst v63  }
0x1ea: {  	s13 =	simm.s32 $0xD900  }
0x1eb: {  	[tilespmem:s13], [sflag:$0x2] =	stream.indirect_vreg.gather [hbm4b:s1+s5], $0x80, v3, vm0, $0xb8;
	[tilespmem:$0x18100] =	vst v63  }
0x1ec: {  	s15 =	simm.s32 $0xE100  }
0x1ed: {  	[tilespmem:s15], [sflag:$0x2] =	stream.indirect_vreg.gather [hbm4b:s8+s5], $0x80, v3, vm0, $0xb8;
	[tilespmem:$0x18100] =	vst v63  }
0x1ee: {  	s4 =	simm.s32 $0xE900  }
0x1ef: {  	[tilespmem:s4], [sflag:$0x2] =	stream.indirect_vreg.gather [hbm4b:s9+s5], $0x80, v3, vm0, $0xb8;
	[tilespmem:$0x18100] =	vst v63  }
0x1f0: {  	v3 =	vld [tilespmem:$0x50];
	_ =	sdelay $0x4  }
0x1f1: {  	v37 =	vshrl.u32 v3, $0x3  }
0x1f2: {  	v4 =	vmul.u32 $0x30, v37  }
0x1f3: {  	v3 =	vand.u32 $0x7, v3  }
0x1f4: {  	v3 =	vor.u32 v3, v4  }
0x1f5: {  	v4 =	vperm.xlane v3, v0;
	_ =	sdelay $0x1  }
0x1f6: {  	v4 =	vadd.s32 v1, v4;
	_ =	sdelay $0x3  }
0x1f7: {  	s30 =	simm.s32 $0xF100;
	v3 =	vperm.xlane v3, v2  }
0x1f8: {  	[tilespmem:s30], [sflag:$0x2] =	stream.indirect_vreg.gather [hbm4b:s1+s5], $0x80, v4, vm0, $0xb8;
	[tilespmem:$0x18100] =	vst v63  }
0x1f9: {  	s16 =	simm.s32 $0xF900;
	v3 =	vadd.s32 v1, v3  }
0x1fa: {  	[tilespmem:s16], [sflag:$0x2] =	stream.indirect_vreg.gather [hbm4b:s8+s5], $0x80, v4, vm0, $0xb8;
	[tilespmem:$0x18100] =	vst v63  }
0x1fb: {  	s17 =	simm.s32 $0x10100  }
0x1fc: {  	[tilespmem:s17], [sflag:$0x2] =	stream.indirect_vreg.gather [hbm4b:s9+s5], $0x80, v4, vm0, $0xb8;
	[tilespmem:$0x18100] =	vst v63  }
0x1fd: {  	s18 =	simm.s32 $0x10900  }
0x1fe: {  	[tilespmem:s18], [sflag:$0x2] =	stream.indirect_vreg.gather [hbm4b:s1+s5], $0x80, v3, vm0, $0xb8;
	[tilespmem:$0x18100] =	vst v63  }
0x1ff: {  	s20 =	simm.s32 $0x11100  }
0x200: {  	[tilespmem:s20], [sflag:$0x2] =	stream.indirect_vreg.gather [hbm4b:s8+s5], $0x80, v3, vm0, $0xb8;
	[tilespmem:$0x18100] =	vst v63  }
0x201: {  	s4 =	simm.s32 $0x11900  }
0x202: {  	[tilespmem:s4], [sflag:$0x2] =	stream.indirect_vreg.gather [hbm4b:s9+s5], $0x80, v3, vm0, $0xb8;
	[tilespmem:$0x18100] =	vst v63  }
0x203: {  	v3 =	vld [tilespmem:$0x60];
	_ =	sdelay $0x4  }
0x204: {  	v38 =	vshrl.u32 v3, $0x3  }
0x205: {  	v4 =	vmul.u32 $0x30, v38  }
0x206: {  	v3 =	vand.u32 $0x7, v3  }
0x207: {  	v3 =	vor.u32 v3, v4  }
0x208: {  	v4 =	vperm.xlane v3, v0;
	_ =	sdelay $0x1  }
0x209: {  	v4 =	vadd.s32 v1, v4;
	_ =	sdelay $0x3  }
0x20a: {  	s30 =	simm.s32 $0x12100;
	v3 =	vperm.xlane v3, v2  }
0x20b: {  	[tilespmem:s30], [sflag:$0x2] =	stream.indirect_vreg.gather [hbm4b:s1+s5], $0x80, v4, vm0, $0xb8;
	[tilespmem:$0x18100] =	vst v63  }
0x20c: {  	s22 =	simm.s32 $0x12900;
	v3 =	vadd.s32 v1, v3  }
0x20d: {  	[tilespmem:s22], [sflag:$0x2] =	stream.indirect_vreg.gather [hbm4b:s8+s5], $0x80, v4, vm0, $0xb8;
	[tilespmem:$0x18100] =	vst v63  }
0x20e: {  	s23 =	simm.s32 $0x13100  }
0x20f: {  	[tilespmem:s23], [sflag:$0x2] =	stream.indirect_vreg.gather [hbm4b:s9+s5], $0x80, v4, vm0, $0xb8;
	[tilespmem:$0x18100] =	vst v63  }
0x210: {  	s24 =	simm.s32 $0x13900  }
0x211: {  	[tilespmem:s24], [sflag:$0x2] =	stream.indirect_vreg.gather [hbm4b:s1+s5], $0x80, v3, vm0, $0xb8;
	[tilespmem:$0x18100] =	vst v63  }
0x212: {  	s31 =	simm.s32 $0x14100  }
0x213: {  	[tilespmem:s31], [sflag:$0x2] =	stream.indirect_vreg.gather [hbm4b:s8+s5], $0x80, v3, vm0, $0xb8;
	[tilespmem:$0x18100] =	vst v63  }
0x214: {  	s4 =	simm.s32 $0x14900  }
0x215: {  	[tilespmem:s4], [sflag:$0x2] =	stream.indirect_vreg.gather [hbm4b:s9+s5], $0x80, v3, vm0, $0xb8;
	[tilespmem:$0x18100] =	vst v63  }
0x216: {  	v3 =	vld [tilespmem:$0x70];
	_ =	sdelay $0x4  }
0x217: {  	v39 =	vshrl.u32 v3, $0x3  }
0x218: {  	v4 =	vmul.u32 $0x30, v39  }
0x219: {  	v3 =	vand.u32 $0x7, v3  }
0x21a: {  	v3 =	vor.u32 v3, v4  }
0x21b: {  	v4 =	vperm.xlane v3, v0;
	_ =	sdelay $0x1  }
0x21c: {  	v4 =	vadd.s32 v1, v4;
	_ =	sdelay $0x3  }
0x21d: {  	s30 =	simm.s32 $0x15100;
	v3 =	vperm.xlane v3, v2  }
0x21e: {  	[tilespmem:s30], [sflag:$0x2] =	stream.indirect_vreg.gather [hbm4b:s1+s5], $0x80, v4, vm0, $0xb8;
	[tilespmem:$0x18100] =	vst v63  }
0x21f: {  	s4 =	simm.s32 $0x15900;
	v3 =	vadd.s32 v1, v3  }
0x220: {  	[tilespmem:s4], [sflag:$0x2] =	stream.indirect_vreg.gather [hbm4b:s8+s5], $0x80, v4, vm0, $0xb8;
	[tilespmem:$0x18100] =	vst v63  }
0x221: {  	s30 =	simm.s32 $0x16100  }
0x222: {  	[tilespmem:s30], [sflag:$0x2] =	stream.indirect_vreg.gather [hbm4b:s9+s5], $0x80, v4, vm0, $0xb8;
	[tilespmem:$0x18100] =	vst v63  }
0x223: {  	s30 =	simm.s32 $0x16900  }
0x224: {  	[tilespmem:s30], [sflag:$0x2] =	stream.indirect_vreg.gather [hbm4b:s1+s5], $0x80, v3, vm0, $0xb8;
	[tilespmem:$0x18100] =	vst v63  }
0x225: {  	s30 =	simm.s32 $0x17100  }
0x226: {  	[tilespmem:s30], [sflag:$0x2] =	stream.indirect_vreg.gather [hbm4b:s8+s5], $0x80, v3, vm0, $0xb8;
	[tilespmem:$0x18100] =	vst v63  }
0x227: {  	s30 =	simm.s32 $0x17900  }
0x228: {  	[tilespmem:s30], [sflag:$0x2] =	stream.indirect_vreg.gather [hbm4b:s9+s5], $0x80, v3, vm0, $0xb8;
	[tilespmem:$0x18100] =	vst v63  }
0x229: {  	_ =	swait.ge [sflag:s25], $0xC000  }
0x22a: {  	[sflag:s25] =	ssyncset.done $0x0  }
0x22b: {  	s3 =	rddreg [dreg:$0x14];
	[sflag:s25] =	ssyncadd.s32 $0xFFFF4000  }
0x22c: {  	[hbm4b:s3+s5] =	stream.linear.scatter [tilespmem:s14], [sflag:$0x3], $0xC000, $0x38;
	[tilespmem:$0x18100] =	vst v63  }
0x22d: {  	s30 =	rddreg [dreg:$0x15]  }
0x22e: {  	[hbm4b:s30+s5] =	stream.linear.scatter [tilespmem:s14], [sflag:$0x3], $0xC000, $0x38;
	[tilespmem:$0x18100] =	vst v63  }
0x22f: {  	_ =	swait.ge [sflag:s26], $0xC000  }
0x230: {  	[sflag:s26] =	ssyncset.done $0x0  }
0x231: {  	[sflag:s26] =	ssyncadd.s32 $0xFFFF4000  }
0x232: {  	_ =	swait.ge [sflag:s26], $0xC000  }
0x233: {  	[sflag:s26] =	ssyncset.done $0x0  }
0x234: {  	[sflag:s26] =	ssyncadd.s32 $0xFFFF4000  }
0x235: {  	v3 =	vld [tilespmem:$0x80];
	_ =	sdelay $0x4  }
0x236: {  	v40 =	vshrl.u32 v3, $0x3  }
0x237: {  	v4 =	vmul.u32 $0x30, v40  }
0x238: {  	v3 =	vand.u32 $0x7, v3  }
0x239: {  	v3 =	vor.u32 v3, v4  }
0x23a: {  	v4 =	vperm.xlane v3, v0;
	_ =	sdelay $0x1  }
0x23b: {  	v4 =	vadd.s32 v1, v4;
	_ =	sdelay $0x3  }
0x23c: {  	v3 =	vperm.xlane v3, v2  }
0x23d: {  	[tilespmem:s14], [sflag:$0x1] =	stream.indirect_vreg.gather [hbm4b:s1+s5], $0x80, v4, vm0, $0xb8;
	[tilespmem:$0x18100] =	vst v63  }
0x23e: {  	s30 =	simm.s32 $0x900;
	v3 =	vadd.s32 v1, v3  }
0x23f: {  	[tilespmem:s30], [sflag:$0x1] =	stream.indirect_vreg.gather [hbm4b:s8+s5], $0x80, v4, vm0, $0xb8;
	[tilespmem:$0x18100] =	vst v63  }
0x240: {  	s30 =	simm.s32 $0x1100  }
0x241: {  	[tilespmem:s30], [sflag:$0x1] =	stream.indirect_vreg.gather [hbm4b:s9+s5], $0x80, v4, vm0, $0xb8;
	[tilespmem:$0x18100] =	vst v63  }
0x242: {  	s30 =	simm.s32 $0x1900  }
0x243: {  	[tilespmem:s30], [sflag:$0x1] =	stream.indirect_vreg.gather [hbm4b:s1+s5], $0x80, v3, vm0, $0xb8;
	[tilespmem:$0x18100] =	vst v63  }
0x244: {  	s30 =	simm.s32 $0x2100  }
0x245: {  	[tilespmem:s30], [sflag:$0x1] =	stream.indirect_vreg.gather [hbm4b:s8+s5], $0x80, v3, vm0, $0xb8;
	[tilespmem:$0x18100] =	vst v63  }
0x246: {  	s30 =	simm.s32 $0x2900  }
0x247: {  	[tilespmem:s30], [sflag:$0x1] =	stream.indirect_vreg.gather [hbm4b:s9+s5], $0x80, v3, vm0, $0xb8;
	[tilespmem:$0x18100] =	vst v63  }
0x248: {  	v3 =	vld [tilespmem:$0x90];
	_ =	sdelay $0x4  }
0x249: {  	v41 =	vshrl.u32 v3, $0x3  }
0x24a: {  	v4 =	vmul.u32 $0x30, v41  }
0x24b: {  	v3 =	vand.u32 $0x7, v3  }
0x24c: {  	v3 =	vor.u32 v3, v4  }
0x24d: {  	v4 =	vperm.xlane v3, v0;
	_ =	sdelay $0x1  }
0x24e: {  	v4 =	vadd.s32 v1, v4;
	_ =	sdelay $0x3  }
0x24f: {  	s30 =	simm.s32 $0x3100;
	v3 =	vperm.xlane v3, v2  }
0x250: {  	[tilespmem:s30], [sflag:$0x1] =	stream.indirect_vreg.gather [hbm4b:s1+s5], $0x80, v4, vm0, $0xb8;
	[tilespmem:$0x18100] =	vst v63  }
0x251: {  	v3 =	vadd.s32 v1, v3;
	s30 =	simm.s32 $0x3900  }
0x252: {  	[tilespmem:s30], [sflag:$0x1] =	stream.indirect_vreg.gather [hbm4b:s8+s5], $0x80, v4, vm0, $0xb8;
	[tilespmem:$0x18100] =	vst v63  }
0x253: {  	s30 =	simm.s32 $0x4100  }
0x254: {  	[tilespmem:s30], [sflag:$0x1] =	stream.indirect_vreg.gather [hbm4b:s9+s5], $0x80, v4, vm0, $0xb8;
	[tilespmem:$0x18100] =	vst v63  }
0x255: {  	s30 =	simm.s32 $0x4900  }
0x256: {  	[tilespmem:s30], [sflag:$0x1] =	stream.indirect_vreg.gather [hbm4b:s1+s5], $0x80, v3, vm0, $0xb8;
	[tilespmem:$0x18100] =	vst v63  }
0x257: {  	s30 =	simm.s32 $0x5100  }
0x258: {  	[tilespmem:s30], [sflag:$0x1] =	stream.indirect_vreg.gather [hbm4b:s8+s5], $0x80, v3, vm0, $0xb8;
	[tilespmem:$0x18100] =	vst v63  }
0x259: {  	s30 =	simm.s32 $0x5900  }
0x25a: {  	[tilespmem:s30], [sflag:$0x1] =	stream.indirect_vreg.gather [hbm4b:s9+s5], $0x80, v3, vm0, $0xb8;
	[tilespmem:$0x18100] =	vst v63  }
0x25b: {  	v3 =	vld [tilespmem:$0xA0];
	_ =	sdelay $0x4  }
0x25c: {  	v42 =	vshrl.u32 v3, $0x3  }
0x25d: {  	v4 =	vmul.u32 $0x30, v42  }
0x25e: {  	v3 =	vand.u32 $0x7, v3  }
0x25f: {  	v3 =	vor.u32 v3, v4  }
0x260: {  	v4 =	vperm.xlane v3, v0;
	_ =	sdelay $0x1  }
0x261: {  	v4 =	vadd.s32 v1, v4;
	_ =	sdelay $0x3  }
0x262: {  	s30 =	simm.s32 $0x6100;
	v3 =	vperm.xlane v3, v2  }
0x263: {  	[tilespmem:s30], [sflag:$0x1] =	stream.indirect_vreg.gather [hbm4b:s1+s5], $0x80, v4, vm0, $0xb8;
	[tilespmem:$0x18100] =	vst v63  }
0x264: {  	v3 =	vadd.s32 v1, v3;
	s30 =	simm.s32 $0x6900  }
0x265: {  	[tilespmem:s30], [sflag:$0x1] =	stream.indirect_vreg.gather [hbm4b:s8+s5], $0x80, v4, vm0, $0xb8;
	[tilespmem:$0x18100] =	vst v63  }
0x266: {  	s30 =	simm.s32 $0x7100  }
0x267: {  	[tilespmem:s30], [sflag:$0x1] =	stream.indirect_vreg.gather [hbm4b:s9+s5], $0x80, v4, vm0, $0xb8;
	[tilespmem:$0x18100] =	vst v63  }
0x268: {  	s30 =	simm.s32 $0x7900  }
0x269: {  	[tilespmem:s30], [sflag:$0x1] =	stream.indirect_vreg.gather [hbm4b:s1+s5], $0x80, v3, vm0, $0xb8;
	[tilespmem:$0x18100] =	vst v63  }
0x26a: {  	s30 =	simm.s32 $0x8100  }
0x26b: {  	[tilespmem:s30], [sflag:$0x1] =	stream.indirect_vreg.gather [hbm4b:s8+s5], $0x80, v3, vm0, $0xb8;
	[tilespmem:$0x18100] =	vst v63  }
0x26c: {  	s30 =	simm.s32 $0x8900  }
0x26d: {  	[tilespmem:s30], [sflag:$0x1] =	stream.indirect_vreg.gather [hbm4b:s9+s5], $0x80, v3, vm0, $0xb8;
	[tilespmem:$0x18100] =	vst v63  }
0x26e: {  	v3 =	vld [tilespmem:$0xB0];
	_ =	sdelay $0x4  }
0x26f: {  	v43 =	vshrl.u32 v3, $0x3  }
0x270: {  	v4 =	vmul.u32 $0x30, v43  }
0x271: {  	v3 =	vand.u32 $0x7, v3  }
0x272: {  	v3 =	vor.u32 v3, v4  }
0x273: {  	v4 =	vperm.xlane v3, v0;
	_ =	sdelay $0x1  }
0x274: {  	v4 =	vadd.s32 v1, v4;
	_ =	sdelay $0x3  }
0x275: {  	s30 =	simm.s32 $0x9100;
	v3 =	vperm.xlane v3, v2  }
0x276: {  	[tilespmem:s30], [sflag:$0x1] =	stream.indirect_vreg.gather [hbm4b:s1+s5], $0x80, v4, vm0, $0xb8;
	[tilespmem:$0x18100] =	vst v63  }
0x277: {  	v3 =	vadd.s32 v1, v3;
	s30 =	simm.s32 $0x9900  }
0x278: {  	[tilespmem:s30], [sflag:$0x1] =	stream.indirect_vreg.gather [hbm4b:s8+s5], $0x80, v4, vm0, $0xb8;
	[tilespmem:$0x18100] =	vst v63  }
0x279: {  	s30 =	simm.s32 $0xA100  }
0x27a: {  	[tilespmem:s30], [sflag:$0x1] =	stream.indirect_vreg.gather [hbm4b:s9+s5], $0x80, v4, vm0, $0xb8;
	[tilespmem:$0x18100] =	vst v63  }
0x27b: {  	s30 =	simm.s32 $0xA900  }
0x27c: {  	[tilespmem:s30], [sflag:$0x1] =	stream.indirect_vreg.gather [hbm4b:s1+s5], $0x80, v3, vm0, $0xb8;
	[tilespmem:$0x18100] =	vst v63  }
0x27d: {  	s30 =	simm.s32 $0xB100  }
0x27e: {  	[tilespmem:s30], [sflag:$0x1] =	stream.indirect_vreg.gather [hbm4b:s8+s5], $0x80, v3, vm0, $0xb8;
	[tilespmem:$0x18100] =	vst v63  }
0x27f: {  	s30 =	simm.s32 $0xB900  }
0x280: {  	[tilespmem:s30], [sflag:$0x1] =	stream.indirect_vreg.gather [hbm4b:s9+s5], $0x80, v3, vm0, $0xb8;
	[tilespmem:$0x18100] =	vst v63  }
0x281: {  	_ =	swait.ge [sflag:s28], $0xC000  }
0x282: {  	[sflag:s28] =	ssyncset.done $0x0  }
0x283: {  	s3 =	rddreg [dreg:$0x16];
	[sflag:s28] =	ssyncadd.s32 $0xFFFF4000  }
0x284: {  	[hbm4b:s3+s5] =	stream.linear.scatter [tilespmem:s19], [sflag:$0x4], $0xC000, $0x38;
	[tilespmem:$0x18100] =	vst v63  }
0x285: {  	s30 =	rddreg [dreg:$0x17]  }
0x286: {  	[hbm4b:s30+s5] =	stream.linear.scatter [tilespmem:s19], [sflag:$0x4], $0xC000, $0x38;
	[tilespmem:$0x18100] =	vst v63  }
0x287: {  	_ =	swait.ge [sflag:s29], $0xC000  }
0x288: {  	[sflag:s29] =	ssyncset.done $0x0  }
0x289: {  	[sflag:s29] =	ssyncadd.s32 $0xFFFF4000  }
0x28a: {  	_ =	swait.ge [sflag:s29], $0xC000  }
0x28b: {  	[sflag:s29] =	ssyncset.done $0x0  }
0x28c: {  	[sflag:s29] =	ssyncadd.s32 $0xFFFF4000  }
0x28d: {  	v3 =	vld [tilespmem:$0xC0];
	_ =	sdelay $0x4  }
0x28e: {  	v44 =	vshrl.u32 v3, $0x3  }
0x28f: {  	v4 =	vmul.u32 $0x30, v44  }
0x290: {  	v3 =	vand.u32 $0x7, v3  }
0x291: {  	v3 =	vor.u32 v3, v4  }
0x292: {  	v4 =	vperm.xlane v3, v0;
	_ =	sdelay $0x1  }
0x293: {  	v4 =	vadd.s32 v1, v4;
	_ =	sdelay $0x3  }
0x294: {  	v3 =	vperm.xlane v3, v2  }
0x295: {  	[tilespmem:s19], [sflag:$0x2] =	stream.indirect_vreg.gather [hbm4b:s1+s5], $0x80, v4, vm0, $0xb8;
	[tilespmem:$0x18100] =	vst v63  }
0x296: {  	s30 =	simm.s32 $0xC900;
	v3 =	vadd.s32 v1, v3  }
0x297: {  	[tilespmem:s30], [sflag:$0x2] =	stream.indirect_vreg.gather [hbm4b:s8+s5], $0x80, v4, vm0, $0xb8;
	[tilespmem:$0x18100] =	vst v63  }
0x298: {  	s21 =	simm.s32 $0xD100  }
0x299: {  	[tilespmem:s21], [sflag:$0x2] =	stream.indirect_vreg.gather [hbm4b:s9+s5], $0x80, v4, vm0, $0xb8;
	[tilespmem:$0x18100] =	vst v63  }
0x29a: {  	s13 =	simm.s32 $0xD900  }
0x29b: {  	[tilespmem:s13], [sflag:$0x2] =	stream.indirect_vreg.gather [hbm4b:s1+s5], $0x80, v3, vm0, $0xb8;
	[tilespmem:$0x18100] =	vst v63  }
0x29c: {  	s15 =	simm.s32 $0xE100  }
0x29d: {  	[tilespmem:s15], [sflag:$0x2] =	stream.indirect_vreg.gather [hbm4b:s8+s5], $0x80, v3, vm0, $0xb8;
	[tilespmem:$0x18100] =	vst v63  }
0x29e: {  	s13 =	simm.s32 $0xE900  }
0x29f: {  	[tilespmem:s13], [sflag:$0x2] =	stream.indirect_vreg.gather [hbm4b:s9+s5], $0x80, v3, vm0, $0xb8;
	[tilespmem:$0x18100] =	vst v63  }
0x2a0: {  	v3 =	vld [tilespmem:$0xD0];
	_ =	sdelay $0x4  }
0x2a1: {  	v45 =	vshrl.u32 v3, $0x3  }
0x2a2: {  	v4 =	vmul.u32 $0x30, v45  }
0x2a3: {  	v3 =	vand.u32 $0x7, v3  }
0x2a4: {  	v3 =	vor.u32 v3, v4  }
0x2a5: {  	v4 =	vperm.xlane v3, v0;
	_ =	sdelay $0x1  }
0x2a6: {  	v4 =	vadd.s32 v1, v4;
	_ =	sdelay $0x3  }
0x2a7: {  	s15 =	simm.s32 $0xF100;
	v3 =	vperm.xlane v3, v2  }
0x2a8: {  	[tilespmem:s15], [sflag:$0x2] =	stream.indirect_vreg.gather [hbm4b:s1+s5], $0x80, v4, vm0, $0xb8;
	[tilespmem:$0x18100] =	vst v63  }
0x2a9: {  	s16 =	simm.s32 $0xF900;
	v3 =	vadd.s32 v1, v3  }
0x2aa: {  	[tilespmem:s16], [sflag:$0x2] =	stream.indirect_vreg.gather [hbm4b:s8+s5], $0x80, v4, vm0, $0xb8;
	[tilespmem:$0x18100] =	vst v63  }
0x2ab: {  	s17 =	simm.s32 $0x10100  }
0x2ac: {  	[tilespmem:s17], [sflag:$0x2] =	stream.indirect_vreg.gather [hbm4b:s9+s5], $0x80, v4, vm0, $0xb8;
	[tilespmem:$0x18100] =	vst v63  }
0x2ad: {  	s18 =	simm.s32 $0x10900  }
0x2ae: {  	[tilespmem:s18], [sflag:$0x2] =	stream.indirect_vreg.gather [hbm4b:s1+s5], $0x80, v3, vm0, $0xb8;
	[tilespmem:$0x18100] =	vst v63  }
0x2af: {  	s20 =	simm.s32 $0x11100  }
0x2b0: {  	[tilespmem:s20], [sflag:$0x2] =	stream.indirect_vreg.gather [hbm4b:s8+s5], $0x80, v3, vm0, $0xb8;
	[tilespmem:$0x18100] =	vst v63  }
0x2b1: {  	s30 =	simm.s32 $0x11900  }
0x2b2: {  	[tilespmem:s30], [sflag:$0x2] =	stream.indirect_vreg.gather [hbm4b:s9+s5], $0x80, v3, vm0, $0xb8;
	[tilespmem:$0x18100] =	vst v63  }
0x2b3: {  	v3 =	vld [tilespmem:$0xE0];
	_ =	sdelay $0x4  }
0x2b4: {  	v46 =	vshrl.u32 v3, $0x3  }
0x2b5: {  	v4 =	vmul.u32 $0x30, v46  }
0x2b6: {  	v3 =	vand.u32 $0x7, v3  }
0x2b7: {  	v3 =	vor.u32 v3, v4  }
0x2b8: {  	v4 =	vperm.xlane v3, v0;
	_ =	sdelay $0x1  }
0x2b9: {  	v4 =	vadd.s32 v1, v4;
	_ =	sdelay $0x3  }
0x2ba: {  	s13 =	simm.s32 $0x12100;
	v3 =	vperm.xlane v3, v2  }
0x2bb: {  	[tilespmem:s13], [sflag:$0x2] =	stream.indirect_vreg.gather [hbm4b:s1+s5], $0x80, v4, vm0, $0xb8;
	[tilespmem:$0x18100] =	vst v63  }
0x2bc: {  	s22 =	simm.s32 $0x12900;
	v3 =	vadd.s32 v1, v3  }
0x2bd: {  	[tilespmem:s22], [sflag:$0x2] =	stream.indirect_vreg.gather [hbm4b:s8+s5], $0x80, v4, vm0, $0xb8;
	[tilespmem:$0x18100] =	vst v63  }
0x2be: {  	s23 =	simm.s32 $0x13100  }
0x2bf: {  	[tilespmem:s23], [sflag:$0x2] =	stream.indirect_vreg.gather [hbm4b:s9+s5], $0x80, v4, vm0, $0xb8;
	[tilespmem:$0x18100] =	vst v63  }
0x2c0: {  	s24 =	simm.s32 $0x13900  }
0x2c1: {  	[tilespmem:s24], [sflag:$0x2] =	stream.indirect_vreg.gather [hbm4b:s1+s5], $0x80, v3, vm0, $0xb8;
	[tilespmem:$0x18100] =	vst v63  }
0x2c2: {  	s31 =	simm.s32 $0x14100  }
0x2c3: {  	[tilespmem:s31], [sflag:$0x2] =	stream.indirect_vreg.gather [hbm4b:s8+s5], $0x80, v3, vm0, $0xb8;
	[tilespmem:$0x18100] =	vst v63  }
0x2c4: {  	s15 =	simm.s32 $0x14900  }
0x2c5: {  	[tilespmem:s15], [sflag:$0x2] =	stream.indirect_vreg.gather [hbm4b:s9+s5], $0x80, v3, vm0, $0xb8;
	[tilespmem:$0x18100] =	vst v63  }
0x2c6: {  	v3 =	vld [tilespmem:$0xF0];
	_ =	sdelay $0x4  }
0x2c7: {  	v47 =	vshrl.u32 v3, $0x3  }
0x2c8: {  	v4 =	vmul.u32 $0x30, v47  }
0x2c9: {  	v3 =	vand.u32 $0x7, v3  }
0x2ca: {  	v3 =	vor.u32 v3, v4  }
0x2cb: {  	v4 =	vperm.xlane v3, v0;
	_ =	sdelay $0x1  }
0x2cc: {  	v4 =	vadd.s32 v1, v4;
	_ =	sdelay $0x3  }
0x2cd: {  	s16 =	simm.s32 $0x15100;
	v3 =	vperm.xlane v3, v2  }
0x2ce: {  	[tilespmem:s16], [sflag:$0x2] =	stream.indirect_vreg.gather [hbm4b:s1+s5], $0x80, v4, vm0, $0xb8;
	[tilespmem:$0x18100] =	vst v63  }
0x2cf: {  	s4 =	simm.s32 $0x15900;
	v3 =	vadd.s32 v1, v3  }
0x2d0: {  	[tilespmem:s4], [sflag:$0x2] =	stream.indirect_vreg.gather [hbm4b:s8+s5], $0x80, v4, vm0, $0xb8;
	[tilespmem:$0x18100] =	vst v63  }
0x2d1: {  	s17 =	simm.s32 $0x16100  }
0x2d2: {  	[tilespmem:s17], [sflag:$0x2] =	stream.indirect_vreg.gather [hbm4b:s9+s5], $0x80, v4, vm0, $0xb8;
	[tilespmem:$0x18100] =	vst v63  }
0x2d3: {  	s18 =	simm.s32 $0x16900  }
0x2d4: {  	[tilespmem:s18], [sflag:$0x2] =	stream.indirect_vreg.gather [hbm4b:s1+s5], $0x80, v3, vm0, $0xb8;
	[tilespmem:$0x18100] =	vst v63  }
0x2d5: {  	s20 =	simm.s32 $0x17100  }
0x2d6: {  	[tilespmem:s20], [sflag:$0x2] =	stream.indirect_vreg.gather [hbm4b:s8+s5], $0x80, v3, vm0, $0xb8;
	[tilespmem:$0x18100] =	vst v63  }
0x2d7: {  	s22 =	simm.s32 $0x17900  }
0x2d8: {  	[tilespmem:s22], [sflag:$0x2] =	stream.indirect_vreg.gather [hbm4b:s9+s5], $0x80, v3, vm0, $0xb8;
	[tilespmem:$0x18100] =	vst v63  }
0x2d9: {  	_ =	swait.ge [sflag:s25], $0xC000  }
0x2da: {  	[sflag:s25] =	ssyncset.done $0x0  }
0x2db: {  	s23 =	rddreg [dreg:$0x18];
	[sflag:s25] =	ssyncadd.s32 $0xFFFF4000  }
0x2dc: {  	[hbm4b:s23+s5] =	stream.linear.scatter [tilespmem:s14], [sflag:$0x3], $0xC000, $0x38;
	[tilespmem:$0x18100] =	vst v63  }
0x2dd: {  	s24 =	rddreg [dreg:$0x19]  }
0x2de: {  	[hbm4b:s24+s5] =	stream.linear.scatter [tilespmem:s14], [sflag:$0x3], $0xC000, $0x38;
	[tilespmem:$0x18100] =	vst v63  }
0x2df: {  	_ =	swait.ge [sflag:s26], $0xC000  }
0x2e0: {  	[sflag:s26] =	ssyncset.done $0x0  }
0x2e1: {  	[sflag:s26] =	ssyncadd.s32 $0xFFFF4000  }
0x2e2: {  	_ =	swait.ge [sflag:s26], $0xC000  }
0x2e3: {  	[sflag:s26] =	ssyncset.done $0x0  }
0x2e4: {  	[sflag:s26] =	ssyncadd.s32 $0xFFFF4000  }
0x2e5: {  	v3 =	vld [tilespmem:$0x0];
	_ =	sdelay $0x4  }
0x2e6: {  	v48 =	vshrl.u32 v3, $0x3  }
0x2e7: {  	v4 =	vmul.u32 $0x30, v48  }
0x2e8: {  	v3 =	vand.u32 $0x7, v3  }
0x2e9: {  	v3 =	vor.u32 v3, v4  }
0x2ea: {  	v4 =	vperm.xlane v3, v0;
	_ =	sdelay $0x1  }
0x2eb: {  	v4 =	vadd.s32 v1, v4;
	_ =	sdelay $0x3  }
0x2ec: {  	v3 =	vperm.xlane v3, v2  }
0x2ed: {  	[tilespmem:s14], [sflag:$0x1] =	stream.indirect_vreg.gather [hbm4b:s2+s5], $0x80, v4, vm0, $0xb8;
	[tilespmem:$0x18100] =	vst v63  }
0x2ee: {  	s31 =	simm.s32 $0x900;
	v3 =	vadd.s32 v1, v3  }
0x2ef: {  	[tilespmem:s31], [sflag:$0x1] =	stream.indirect_vreg.gather [hbm4b:s10+s5], $0x80, v4, vm0, $0xb8;
	[tilespmem:$0x18100] =	vst v63  }
0x2f0: {  	s4 =	simm.s32 $0x1100  }
0x2f1: {  	[tilespmem:s4], [sflag:$0x1] =	stream.indirect_vreg.gather [hbm4b:s11+s5], $0x80, v4, vm0, $0xb8;
	[tilespmem:$0x18100] =	vst v63  }
0x2f2: {  	s15 =	simm.s32 $0x1900  }
0x2f3: {  	[tilespmem:s15], [sflag:$0x1] =	stream.indirect_vreg.gather [hbm4b:s2+s5], $0x80, v3, vm0, $0xb8;
	[tilespmem:$0x18100] =	vst v63  }
0x2f4: {  	s16 =	simm.s32 $0x2100  }
0x2f5: {  	[tilespmem:s16], [sflag:$0x1] =	stream.indirect_vreg.gather [hbm4b:s10+s5], $0x80, v3, vm0, $0xb8;
	[tilespmem:$0x18100] =	vst v63  }
0x2f6: {  	s17 =	simm.s32 $0x2900  }
0x2f7: {  	[tilespmem:s17], [sflag:$0x1] =	stream.indirect_vreg.gather [hbm4b:s11+s5], $0x80, v3, vm0, $0xb8;
	[tilespmem:$0x18100] =	vst v63  }
0x2f8: {  	v3 =	vld [tilespmem:$0x10];
	_ =	sdelay $0x4  }
0x2f9: {  	v49 =	vshrl.u32 v3, $0x3  }
0x2fa: {  	v4 =	vmul.u32 $0x30, v49  }
0x2fb: {  	v3 =	vand.u32 $0x7, v3  }
0x2fc: {  	v3 =	vor.u32 v3, v4  }
0x2fd: {  	v4 =	vperm.xlane v3, v0;
	_ =	sdelay $0x1  }
0x2fe: {  	v4 =	vadd.s32 v1, v4;
	_ =	sdelay $0x3  }
0x2ff: {  	s18 =	simm.s32 $0x3100;
	v3 =	vperm.xlane v3, v2  }
0x300: {  	[tilespmem:s18], [sflag:$0x1] =	stream.indirect_vreg.gather [hbm4b:s2+s5], $0x80, v4, vm0, $0xb8;
	[tilespmem:$0x18100] =	vst v63  }
0x301: {  	s20 =	simm.s32 $0x3900;
	v3 =	vadd.s32 v1, v3  }
0x302: {  	[tilespmem:s20], [sflag:$0x1] =	stream.indirect_vreg.gather [hbm4b:s10+s5], $0x80, v4, vm0, $0xb8;
	[tilespmem:$0x18100] =	vst v63  }
0x303: {  	s22 =	simm.s32 $0x4100  }
0x304: {  	[tilespmem:s22], [sflag:$0x1] =	stream.indirect_vreg.gather [hbm4b:s11+s5], $0x80, v4, vm0, $0xb8;
	[tilespmem:$0x18100] =	vst v63  }
0x305: {  	s23 =	simm.s32 $0x4900  }
0x306: {  	[tilespmem:s23], [sflag:$0x1] =	stream.indirect_vreg.gather [hbm4b:s2+s5], $0x80, v3, vm0, $0xb8;
	[tilespmem:$0x18100] =	vst v63  }
0x307: {  	s24 =	simm.s32 $0x5100  }
0x308: {  	[tilespmem:s24], [sflag:$0x1] =	stream.indirect_vreg.gather [hbm4b:s10+s5], $0x80, v3, vm0, $0xb8;
	[tilespmem:$0x18100] =	vst v63  }
0x309: {  	s30 =	simm.s32 $0x5900  }
0x30a: {  	[tilespmem:s30], [sflag:$0x1] =	stream.indirect_vreg.gather [hbm4b:s11+s5], $0x80, v3, vm0, $0xb8;
	[tilespmem:$0x18100] =	vst v63  }
0x30b: {  	v3 =	vld [tilespmem:$0x20];
	_ =	sdelay $0x4  }
0x30c: {  	v50 =	vshrl.u32 v3, $0x3  }
0x30d: {  	v4 =	vmul.u32 $0x30, v50  }
0x30e: {  	v3 =	vand.u32 $0x7, v3  }
0x30f: {  	v3 =	vor.u32 v3, v4  }
0x310: {  	v4 =	vperm.xlane v3, v0;
	_ =	sdelay $0x1  }
0x311: {  	v4 =	vadd.s32 v1, v4;
	_ =	sdelay $0x3  }
0x312: {  	s31 =	simm.s32 $0x6100;
	v3 =	vperm.xlane v3, v2  }
0x313: {  	[tilespmem:s31], [sflag:$0x1] =	stream.indirect_vreg.gather [hbm4b:s2+s5], $0x80, v4, vm0, $0xb8;
	[tilespmem:$0x18100] =	vst v63  }
0x314: {  	s4 =	simm.s32 $0x6900;
	v3 =	vadd.s32 v1, v3  }
0x315: {  	[tilespmem:s4], [sflag:$0x1] =	stream.indirect_vreg.gather [hbm4b:s10+s5], $0x80, v4, vm0, $0xb8;
	[tilespmem:$0x18100] =	vst v63  }
0x316: {  	s15 =	simm.s32 $0x7100  }
0x317: {  	[tilespmem:s15], [sflag:$0x1] =	stream.indirect_vreg.gather [hbm4b:s11+s5], $0x80, v4, vm0, $0xb8;
	[tilespmem:$0x18100] =	vst v63  }
0x318: {  	s16 =	simm.s32 $0x7900  }
0x319: {  	[tilespmem:s16], [sflag:$0x1] =	stream.indirect_vreg.gather [hbm4b:s2+s5], $0x80, v3, vm0, $0xb8;
	[tilespmem:$0x18100] =	vst v63  }
0x31a: {  	s17 =	simm.s32 $0x8100  }
0x31b: {  	[tilespmem:s17], [sflag:$0x1] =	stream.indirect_vreg.gather [hbm4b:s10+s5], $0x80, v3, vm0, $0xb8;
	[tilespmem:$0x18100] =	vst v63  }
0x31c: {  	s18 =	simm.s32 $0x8900  }
0x31d: {  	[tilespmem:s18], [sflag:$0x1] =	stream.indirect_vreg.gather [hbm4b:s11+s5], $0x80, v3, vm0, $0xb8;
	[tilespmem:$0x18100] =	vst v63  }
0x31e: {  	v3 =	vld [tilespmem:$0x30];
	_ =	sdelay $0x4  }
0x31f: {  	v51 =	vshrl.u32 v3, $0x3  }
0x320: {  	v4 =	vmul.u32 $0x30, v51  }
0x321: {  	v3 =	vand.u32 $0x7, v3  }
0x322: {  	v3 =	vor.u32 v3, v4  }
0x323: {  	v4 =	vperm.xlane v3, v0;
	_ =	sdelay $0x1  }
0x324: {  	v4 =	vadd.s32 v1, v4;
	_ =	sdelay $0x3  }
0x325: {  	s20 =	simm.s32 $0x9100;
	v3 =	vperm.xlane v3, v2  }
0x326: {  	[tilespmem:s20], [sflag:$0x1] =	stream.indirect_vreg.gather [hbm4b:s2+s5], $0x80, v4, vm0, $0xb8;
	[tilespmem:$0x18100] =	vst v63  }
0x327: {  	s22 =	simm.s32 $0x9900;
	v3 =	vadd.s32 v1, v3  }
0x328: {  	[tilespmem:s22], [sflag:$0x1] =	stream.indirect_vreg.gather [hbm4b:s10+s5], $0x80, v4, vm0, $0xb8;
	[tilespmem:$0x18100] =	vst v63  }
0x329: {  	s23 =	simm.s32 $0xA100  }
0x32a: {  	[tilespmem:s23], [sflag:$0x1] =	stream.indirect_vreg.gather [hbm4b:s11+s5], $0x80, v4, vm0, $0xb8;
	[tilespmem:$0x18100] =	vst v63  }
0x32b: {  	s24 =	simm.s32 $0xA900  }
0x32c: {  	[tilespmem:s24], [sflag:$0x1] =	stream.indirect_vreg.gather [hbm4b:s2+s5], $0x80, v3, vm0, $0xb8;
	[tilespmem:$0x18100] =	vst v63  }
0x32d: {  	s30 =	simm.s32 $0xB100  }
0x32e: {  	[tilespmem:s30], [sflag:$0x1] =	stream.indirect_vreg.gather [hbm4b:s10+s5], $0x80, v3, vm0, $0xb8;
	[tilespmem:$0x18100] =	vst v63  }
0x32f: {  	s31 =	simm.s32 $0xB900  }
0x330: {  	[tilespmem:s31], [sflag:$0x1] =	stream.indirect_vreg.gather [hbm4b:s11+s5], $0x80, v3, vm0, $0xb8;
	[tilespmem:$0x18100] =	vst v63  }
0x331: {  	_ =	swait.ge [sflag:s28], $0xC000  }
0x332: {  	[sflag:s28] =	ssyncset.done $0x0  }
0x333: {  	s4 =	rddreg [dreg:$0x1a];
	[sflag:s28] =	ssyncadd.s32 $0xFFFF4000  }
0x334: {  	[hbm4b:s4+s5] =	stream.linear.scatter [tilespmem:s19], [sflag:$0x4], $0xC000, $0x38;
	[tilespmem:$0x18100] =	vst v63  }
0x335: {  	s15 =	rddreg [dreg:$0x1b]  }
0x336: {  	[hbm4b:s15+s5] =	stream.linear.scatter [tilespmem:s19], [sflag:$0x4], $0xC000, $0x38;
	[tilespmem:$0x18100] =	vst v63  }
0x337: {  	_ =	swait.ge [sflag:s29], $0xC000  }
0x338: {  	[sflag:s29] =	ssyncset.done $0x0  }
0x339: {  	[sflag:s29] =	ssyncadd.s32 $0xFFFF4000  }
0x33a: {  	_ =	swait.ge [sflag:s29], $0xC000  }
0x33b: {  	[sflag:s29] =	ssyncset.done $0x0  }
0x33c: {  	[sflag:s29] =	ssyncadd.s32 $0xFFFF4000  }
0x33d: {  	v3 =	vld [tilespmem:$0x40];
	_ =	sdelay $0x4  }
0x33e: {  	v52 =	vshrl.u32 v3, $0x3  }
0x33f: {  	v4 =	vmul.u32 $0x30, v52  }
0x340: {  	v3 =	vand.u32 $0x7, v3  }
0x341: {  	v3 =	vor.u32 v3, v4  }
0x342: {  	v4 =	vperm.xlane v3, v0;
	_ =	sdelay $0x1  }
0x343: {  	v4 =	vadd.s32 v1, v4;
	_ =	sdelay $0x3  }
0x344: {  	v3 =	vperm.xlane v3, v2  }
0x345: {  	[tilespmem:s19], [sflag:$0x2] =	stream.indirect_vreg.gather [hbm4b:s2+s5], $0x80, v4, vm0, $0xb8;
	[tilespmem:$0x18100] =	vst v63  }
0x346: {  	s16 =	simm.s32 $0xC900;
	v3 =	vadd.s32 v1, v3  }
0x347: {  	[tilespmem:s16], [sflag:$0x2] =	stream.indirect_vreg.gather [hbm4b:s10+s5], $0x80, v4, vm0, $0xb8;
	[tilespmem:$0x18100] =	vst v63  }
0x348: {  	s21 =	simm.s32 $0xD100  }
0x349: {  	[tilespmem:s21], [sflag:$0x2] =	stream.indirect_vreg.gather [hbm4b:s11+s5], $0x80, v4, vm0, $0xb8;
	[tilespmem:$0x18100] =	vst v63  }
0x34a: {  	s17 =	simm.s32 $0xD900  }
0x34b: {  	[tilespmem:s17], [sflag:$0x2] =	stream.indirect_vreg.gather [hbm4b:s2+s5], $0x80, v3, vm0, $0xb8;
	[tilespmem:$0x18100] =	vst v63  }
0x34c: {  	s18 =	simm.s32 $0xE100  }
0x34d: {  	[tilespmem:s18], [sflag:$0x2] =	stream.indirect_vreg.gather [hbm4b:s10+s5], $0x80, v3, vm0, $0xb8;
	[tilespmem:$0x18100] =	vst v63  }
0x34e: {  	s20 =	simm.s32 $0xE900  }
0x34f: {  	[tilespmem:s20], [sflag:$0x2] =	stream.indirect_vreg.gather [hbm4b:s11+s5], $0x80, v3, vm0, $0xb8;
	[tilespmem:$0x18100] =	vst v63  }
0x350: {  	v3 =	vld [tilespmem:$0x50];
	_ =	sdelay $0x4  }
0x351: {  	v53 =	vshrl.u32 v3, $0x3  }
0x352: {  	v4 =	vmul.u32 $0x30, v53  }
0x353: {  	v3 =	vand.u32 $0x7, v3  }
0x354: {  	v3 =	vor.u32 v3, v4  }
0x355: {  	v4 =	vperm.xlane v3, v0;
	_ =	sdelay $0x1  }
0x356: {  	v4 =	vadd.s32 v1, v4;
	_ =	sdelay $0x3  }
0x357: {  	s21 =	simm.s32 $0xF100;
	v3 =	vperm.xlane v3, v2  }
0x358: {  	[tilespmem:s21], [sflag:$0x2] =	stream.indirect_vreg.gather [hbm4b:s2+s5], $0x80, v4, vm0, $0xb8;
	[tilespmem:$0x18100] =	vst v63  }
0x359: {  	s22 =	simm.s32 $0xF900;
	v3 =	vadd.s32 v1, v3  }
0x35a: {  	[tilespmem:s22], [sflag:$0x2] =	stream.indirect_vreg.gather [hbm4b:s10+s5], $0x80, v4, vm0, $0xb8;
	[tilespmem:$0x18100] =	vst v63  }
0x35b: {  	s24 =	simm.s32 $0x10100  }
0x35c: {  	[tilespmem:s24], [sflag:$0x2] =	stream.indirect_vreg.gather [hbm4b:s11+s5], $0x80, v4, vm0, $0xb8;
	[tilespmem:$0x18100] =	vst v63  }
0x35d: {  	s30 =	simm.s32 $0x10900  }
0x35e: {  	[tilespmem:s30], [sflag:$0x2] =	stream.indirect_vreg.gather [hbm4b:s2+s5], $0x80, v3, vm0, $0xb8;
	[tilespmem:$0x18100] =	vst v63  }
0x35f: {  	s31 =	simm.s32 $0x11100  }
0x360: {  	[tilespmem:s31], [sflag:$0x2] =	stream.indirect_vreg.gather [hbm4b:s10+s5], $0x80, v3, vm0, $0xb8;
	[tilespmem:$0x18100] =	vst v63  }
0x361: {  	s21 =	simm.s32 $0x11900  }
0x362: {  	[tilespmem:s21], [sflag:$0x2] =	stream.indirect_vreg.gather [hbm4b:s11+s5], $0x80, v3, vm0, $0xb8;
	[tilespmem:$0x18100] =	vst v63  }
0x363: {  	v3 =	vld [tilespmem:$0x60];
	_ =	sdelay $0x4  }
0x364: {  	v54 =	vshrl.u32 v3, $0x3  }
0x365: {  	v4 =	vmul.u32 $0x30, v54  }
0x366: {  	v3 =	vand.u32 $0x7, v3  }
0x367: {  	v3 =	vor.u32 v3, v4  }
0x368: {  	v4 =	vperm.xlane v3, v0;
	_ =	sdelay $0x1  }
0x369: {  	v4 =	vadd.s32 v1, v4;
	_ =	sdelay $0x3  }
0x36a: {  	s24 =	simm.s32 $0x12100;
	v3 =	vperm.xlane v3, v2  }
0x36b: {  	[tilespmem:s24], [sflag:$0x2] =	stream.indirect_vreg.gather [hbm4b:s2+s5], $0x80, v4, vm0, $0xb8;
	[tilespmem:$0x18100] =	vst v63  }
0x36c: {  	s30 =	simm.s32 $0x12900;
	v3 =	vadd.s32 v1, v3  }
0x36d: {  	[tilespmem:s30], [sflag:$0x2] =	stream.indirect_vreg.gather [hbm4b:s10+s5], $0x80, v4, vm0, $0xb8;
	[tilespmem:$0x18100] =	vst v63  }
0x36e: {  	s31 =	simm.s32 $0x13100  }
0x36f: {  	[tilespmem:s31], [sflag:$0x2] =	stream.indirect_vreg.gather [hbm4b:s11+s5], $0x80, v4, vm0, $0xb8;
	[tilespmem:$0x18100] =	vst v63  }
0x370: {  	s21 =	simm.s32 $0x13900  }
0x371: {  	[tilespmem:s21], [sflag:$0x2] =	stream.indirect_vreg.gather [hbm4b:s2+s5], $0x80, v3, vm0, $0xb8;
	[tilespmem:$0x18100] =	vst v63  }
0x372: {  	s30 =	simm.s32 $0x14100  }
0x373: {  	[tilespmem:s30], [sflag:$0x2] =	stream.indirect_vreg.gather [hbm4b:s10+s5], $0x80, v3, vm0, $0xb8;
	[tilespmem:$0x18100] =	vst v63  }
0x374: {  	s21 =	simm.s32 $0x14900  }
0x375: {  	[tilespmem:s21], [sflag:$0x2] =	stream.indirect_vreg.gather [hbm4b:s11+s5], $0x80, v3, vm0, $0xb8;
	[tilespmem:$0x18100] =	vst v63  }
0x376: {  	v3 =	vld [tilespmem:$0x70];
	_ =	sdelay $0x4  }
0x377: {  	v55 =	vshrl.u32 v3, $0x3  }
0x378: {  	v4 =	vmul.u32 $0x30, v55  }
0x379: {  	v3 =	vand.u32 $0x7, v3  }
0x37a: {  	v3 =	vor.u32 v3, v4  }
0x37b: {  	v4 =	vperm.xlane v3, v0;
	_ =	sdelay $0x1  }
0x37c: {  	v4 =	vadd.s32 v1, v4;
	_ =	sdelay $0x3  }
0x37d: {  	s30 =	simm.s32 $0x15100;
	v3 =	vperm.xlane v3, v2  }
0x37e: {  	[tilespmem:s30], [sflag:$0x2] =	stream.indirect_vreg.gather [hbm4b:s2+s5], $0x80, v4, vm0, $0xb8;
	[tilespmem:$0x18100] =	vst v63  }
0x37f: {  	s13 =	simm.s32 $0x15900;
	v3 =	vadd.s32 v1, v3  }
0x380: {  	[tilespmem:s13], [sflag:$0x2] =	stream.indirect_vreg.gather [hbm4b:s10+s5], $0x80, v4, vm0, $0xb8;
	[tilespmem:$0x18100] =	vst v63  }
0x381: {  	s13 =	simm.s32 $0x16100  }
0x382: {  	[tilespmem:s13], [sflag:$0x2] =	stream.indirect_vreg.gather [hbm4b:s11+s5], $0x80, v4, vm0, $0xb8;
	[tilespmem:$0x18100] =	vst v63  }
0x383: {  	s30 =	simm.s32 $0x16900  }
0x384: {  	[tilespmem:s30], [sflag:$0x2] =	stream.indirect_vreg.gather [hbm4b:s2+s5], $0x80, v3, vm0, $0xb8;
	[tilespmem:$0x18100] =	vst v63  }
0x385: {  	s30 =	simm.s32 $0x17100  }
0x386: {  	[tilespmem:s30], [sflag:$0x2] =	stream.indirect_vreg.gather [hbm4b:s10+s5], $0x80, v3, vm0, $0xb8;
	[tilespmem:$0x18100] =	vst v63  }
0x387: {  	s30 =	simm.s32 $0x17900  }
0x388: {  	[tilespmem:s30], [sflag:$0x2] =	stream.indirect_vreg.gather [hbm4b:s11+s5], $0x80, v3, vm0, $0xb8;
	[tilespmem:$0x18100] =	vst v63  }
0x389: {  	_ =	swait.ge [sflag:s25], $0xC000  }
0x38a: {  	[sflag:s25] =	ssyncset.done $0x0  }
0x38b: {  	s3 =	rddreg [dreg:$0x1c];
	[sflag:s25] =	ssyncadd.s32 $0xFFFF4000  }
0x38c: {  	[hbm4b:s3+s5] =	stream.linear.scatter [tilespmem:s14], [sflag:$0x3], $0xC000, $0x38;
	[tilespmem:$0x18100] =	vst v63  }
0x38d: {  	s30 =	rddreg [dreg:$0x1d]  }
0x38e: {  	[hbm4b:s30+s5] =	stream.linear.scatter [tilespmem:s14], [sflag:$0x3], $0xC000, $0x38;
	[tilespmem:$0x18100] =	vst v63  }
0x38f: {  	_ =	swait.ge [sflag:s26], $0xC000  }
0x390: {  	[sflag:s26] =	ssyncset.done $0x0  }
0x391: {  	[sflag:s26] =	ssyncadd.s32 $0xFFFF4000  }
0x392: {  	_ =	swait.ge [sflag:s26], $0xC000  }
0x393: {  	[sflag:s26] =	ssyncset.done $0x0  }
0x394: {  	[sflag:s26] =	ssyncadd.s32 $0xFFFF4000  }
0x395: {  	v3 =	vld [tilespmem:$0x80];
	_ =	sdelay $0x4  }
0x396: {  	v56 =	vshrl.u32 v3, $0x3  }
0x397: {  	v4 =	vmul.u32 $0x30, v56  }
0x398: {  	v3 =	vand.u32 $0x7, v3  }
0x399: {  	v3 =	vor.u32 v3, v4  }
0x39a: {  	v4 =	vperm.xlane v3, v0;
	_ =	sdelay $0x1  }
0x39b: {  	v4 =	vadd.s32 v1, v4;
	_ =	sdelay $0x3  }
0x39c: {  	v3 =	vperm.xlane v3, v2  }
0x39d: {  	[tilespmem:s14], [sflag:$0x1] =	stream.indirect_vreg.gather [hbm4b:s2+s5], $0x80, v4, vm0, $0xb8;
	[tilespmem:$0x18100] =	vst v63  }
0x39e: {  	s30 =	simm.s32 $0x900;
	v3 =	vadd.s32 v1, v3  }
0x39f: {  	[tilespmem:s30], [sflag:$0x1] =	stream.indirect_vreg.gather [hbm4b:s10+s5], $0x80, v4, vm0, $0xb8;
	[tilespmem:$0x18100] =	vst v63  }
0x3a0: {  	s30 =	simm.s32 $0x1100  }
0x3a1: {  	[tilespmem:s30], [sflag:$0x1] =	stream.indirect_vreg.gather [hbm4b:s11+s5], $0x80, v4, vm0, $0xb8;
	[tilespmem:$0x18100] =	vst v63  }
0x3a2: {  	s30 =	simm.s32 $0x1900  }
0x3a3: {  	[tilespmem:s30], [sflag:$0x1] =	stream.indirect_vreg.gather [hbm4b:s2+s5], $0x80, v3, vm0, $0xb8;
	[tilespmem:$0x18100] =	vst v63  }
0x3a4: {  	s30 =	simm.s32 $0x2100  }
0x3a5: {  	[tilespmem:s30], [sflag:$0x1] =	stream.indirect_vreg.gather [hbm4b:s10+s5], $0x80, v3, vm0, $0xb8;
	[tilespmem:$0x18100] =	vst v63  }
0x3a6: {  	s30 =	simm.s32 $0x2900  }
0x3a7: {  	[tilespmem:s30], [sflag:$0x1] =	stream.indirect_vreg.gather [hbm4b:s11+s5], $0x80, v3, vm0, $0xb8;
	[tilespmem:$0x18100] =	vst v63  }
0x3a8: {  	v3 =	vld [tilespmem:$0x90];
	_ =	sdelay $0x4  }
0x3a9: {  	v57 =	vshrl.u32 v3, $0x3  }
0x3aa: {  	v4 =	vmul.u32 $0x30, v57  }
0x3ab: {  	v3 =	vand.u32 $0x7, v3  }
0x3ac: {  	v3 =	vor.u32 v3, v4  }
0x3ad: {  	v4 =	vperm.xlane v3, v0;
	_ =	sdelay $0x1  }
0x3ae: {  	v4 =	vadd.s32 v1, v4;
	_ =	sdelay $0x3  }
0x3af: {  	s30 =	simm.s32 $0x3100;
	v3 =	vperm.xlane v3, v2  }
0x3b0: {  	[tilespmem:s30], [sflag:$0x1] =	stream.indirect_vreg.gather [hbm4b:s2+s5], $0x80, v4, vm0, $0xb8;
	[tilespmem:$0x18100] =	vst v63  }
0x3b1: {  	v3 =	vadd.s32 v1, v3;
	s30 =	simm.s32 $0x3900  }
0x3b2: {  	[tilespmem:s30], [sflag:$0x1] =	stream.indirect_vreg.gather [hbm4b:s10+s5], $0x80, v4, vm0, $0xb8;
	[tilespmem:$0x18100] =	vst v63  }
0x3b3: {  	s30 =	simm.s32 $0x4100  }
0x3b4: {  	[tilespmem:s30], [sflag:$0x1] =	stream.indirect_vreg.gather [hbm4b:s11+s5], $0x80, v4, vm0, $0xb8;
	[tilespmem:$0x18100] =	vst v63  }
0x3b5: {  	s30 =	simm.s32 $0x4900  }
0x3b6: {  	[tilespmem:s30], [sflag:$0x1] =	stream.indirect_vreg.gather [hbm4b:s2+s5], $0x80, v3, vm0, $0xb8;
	[tilespmem:$0x18100] =	vst v63  }
0x3b7: {  	s30 =	simm.s32 $0x5100  }
0x3b8: {  	[tilespmem:s30], [sflag:$0x1] =	stream.indirect_vreg.gather [hbm4b:s10+s5], $0x80, v3, vm0, $0xb8;
	[tilespmem:$0x18100] =	vst v63  }
0x3b9: {  	s30 =	simm.s32 $0x5900  }
0x3ba: {  	[tilespmem:s30], [sflag:$0x1] =	stream.indirect_vreg.gather [hbm4b:s11+s5], $0x80, v3, vm0, $0xb8;
	[tilespmem:$0x18100] =	vst v63  }
0x3bb: {  	v3 =	vld [tilespmem:$0xA0];
	_ =	sdelay $0x4  }
0x3bc: {  	v58 =	vshrl.u32 v3, $0x3  }
0x3bd: {  	v4 =	vmul.u32 $0x30, v58  }
0x3be: {  	v3 =	vand.u32 $0x7, v3  }
0x3bf: {  	v3 =	vor.u32 v3, v4  }
0x3c0: {  	v4 =	vperm.xlane v3, v0;
	_ =	sdelay $0x1  }
0x3c1: {  	v4 =	vadd.s32 v1, v4;
	_ =	sdelay $0x3  }
0x3c2: {  	s30 =	simm.s32 $0x6100;
	v3 =	vperm.xlane v3, v2  }
0x3c3: {  	[tilespmem:s30], [sflag:$0x1] =	stream.indirect_vreg.gather [hbm4b:s2+s5], $0x80, v4, vm0, $0xb8;
	[tilespmem:$0x18100] =	vst v63  }
0x3c4: {  	v3 =	vadd.s32 v1, v3;
	s30 =	simm.s32 $0x6900  }
0x3c5: {  	[tilespmem:s30], [sflag:$0x1] =	stream.indirect_vreg.gather [hbm4b:s10+s5], $0x80, v4, vm0, $0xb8;
	[tilespmem:$0x18100] =	vst v63  }
0x3c6: {  	s30 =	simm.s32 $0x7100  }
0x3c7: {  	[tilespmem:s30], [sflag:$0x1] =	stream.indirect_vreg.gather [hbm4b:s11+s5], $0x80, v4, vm0, $0xb8;
	[tilespmem:$0x18100] =	vst v63  }
0x3c8: {  	s30 =	simm.s32 $0x7900  }
0x3c9: {  	[tilespmem:s30], [sflag:$0x1] =	stream.indirect_vreg.gather [hbm4b:s2+s5], $0x80, v3, vm0, $0xb8;
	[tilespmem:$0x18100] =	vst v63  }
0x3ca: {  	s30 =	simm.s32 $0x8100  }
0x3cb: {  	[tilespmem:s30], [sflag:$0x1] =	stream.indirect_vreg.gather [hbm4b:s10+s5], $0x80, v3, vm0, $0xb8;
	[tilespmem:$0x18100] =	vst v63  }
0x3cc: {  	s30 =	simm.s32 $0x8900  }
0x3cd: {  	[tilespmem:s30], [sflag:$0x1] =	stream.indirect_vreg.gather [hbm4b:s11+s5], $0x80, v3, vm0, $0xb8;
	[tilespmem:$0x18100] =	vst v63  }
0x3ce: {  	v3 =	vld [tilespmem:$0xB0];
	_ =	sdelay $0x4  }
0x3cf: {  	v59 =	vshrl.u32 v3, $0x3  }
0x3d0: {  	v4 =	vmul.u32 $0x30, v59  }
0x3d1: {  	v3 =	vand.u32 $0x7, v3  }
0x3d2: {  	v3 =	vor.u32 v3, v4  }
0x3d3: {  	v4 =	vperm.xlane v3, v0;
	_ =	sdelay $0x1  }
0x3d4: {  	v4 =	vadd.s32 v1, v4;
	_ =	sdelay $0x3  }
0x3d5: {  	s30 =	simm.s32 $0x9100;
	v3 =	vperm.xlane v3, v2  }
0x3d6: {  	[tilespmem:s30], [sflag:$0x1] =	stream.indirect_vreg.gather [hbm4b:s2+s5], $0x80, v4, vm0, $0xb8;
	[tilespmem:$0x18100] =	vst v63  }
0x3d7: {  	v3 =	vadd.s32 v1, v3;
	s30 =	simm.s32 $0x9900  }
0x3d8: {  	[tilespmem:s30], [sflag:$0x1] =	stream.indirect_vreg.gather [hbm4b:s10+s5], $0x80, v4, vm0, $0xb8;
	[tilespmem:$0x18100] =	vst v63  }
0x3d9: {  	s30 =	simm.s32 $0xA100  }
0x3da: {  	[tilespmem:s30], [sflag:$0x1] =	stream.indirect_vreg.gather [hbm4b:s11+s5], $0x80, v4, vm0, $0xb8;
	[tilespmem:$0x18100] =	vst v63  }
0x3db: {  	s30 =	simm.s32 $0xA900  }
0x3dc: {  	[tilespmem:s30], [sflag:$0x1] =	stream.indirect_vreg.gather [hbm4b:s2+s5], $0x80, v3, vm0, $0xb8;
	[tilespmem:$0x18100] =	vst v63  }
0x3dd: {  	s30 =	simm.s32 $0xB100  }
0x3de: {  	[tilespmem:s30], [sflag:$0x1] =	stream.indirect_vreg.gather [hbm4b:s10+s5], $0x80, v3, vm0, $0xb8;
	[tilespmem:$0x18100] =	vst v63  }
0x3df: {  	s30 =	simm.s32 $0xB900  }
0x3e0: {  	[tilespmem:s30], [sflag:$0x1] =	stream.indirect_vreg.gather [hbm4b:s11+s5], $0x80, v3, vm0, $0xb8;
	[tilespmem:$0x18100] =	vst v63  }
0x3e1: {  	_ =	swait.ge [sflag:s28], $0xC000  }
0x3e2: {  	[sflag:s28] =	ssyncset.done $0x0  }
0x3e3: {  	s3 =	rddreg [dreg:$0x1e];
	[sflag:s28] =	ssyncadd.s32 $0xFFFF4000  }
0x3e4: {  	[hbm4b:s3+s5] =	stream.linear.scatter [tilespmem:s19], [sflag:$0x4], $0xC000, $0x38;
	[tilespmem:$0x18100] =	vst v63  }
0x3e5: {  	s30 =	rddreg [dreg:$0x1f]  }
0x3e6: {  	[hbm4b:s30+s5] =	stream.linear.scatter [tilespmem:s19], [sflag:$0x4], $0xC000, $0x38;
	[tilespmem:$0x18100] =	vst v63  }
0x3e7: {  	_ =	swait.ge [sflag:s29], $0xC000  }
0x3e8: {  	[sflag:s29] =	ssyncset.done $0x0  }
0x3e9: {  	[sflag:s29] =	ssyncadd.s32 $0xFFFF4000  }
0x3ea: {  	_ =	swait.ge [sflag:s29], $0xC000  }
0x3eb: {  	[sflag:s29] =	ssyncset.done $0x0  }
0x3ec: {  	[sflag:s29] =	ssyncadd.s32 $0xFFFF4000  }
0x3ed: {  	v3 =	vld [tilespmem:$0xC0];
	_ =	sdelay $0x4  }
0x3ee: {  	v60 =	vshrl.u32 v3, $0x3  }
0x3ef: {  	v4 =	vmul.u32 $0x30, v60  }
0x3f0: {  	v3 =	vand.u32 $0x7, v3  }
0x3f1: {  	v3 =	vor.u32 v3, v4  }
0x3f2: {  	v4 =	vperm.xlane v3, v0;
	_ =	sdelay $0x1  }
0x3f3: {  	v4 =	vadd.s32 v1, v4;
	_ =	sdelay $0x3  }
0x3f4: {  	v3 =	vperm.xlane v3, v2  }
0x3f5: {  	[tilespmem:s19], [sflag:$0x2] =	stream.indirect_vreg.gather [hbm4b:s2+s5], $0x80, v4, vm0, $0xb8;
	[tilespmem:$0x18100] =	vst v63  }
0x3f6: {  	s23 =	simm.s32 $0xC900;
	v3 =	vadd.s32 v1, v3  }
0x3f7: {  	[tilespmem:s23], [sflag:$0x2] =	stream.indirect_vreg.gather [hbm4b:s10+s5], $0x80, v4, vm0, $0xb8;
	[tilespmem:$0x18100] =	vst v63  }
0x3f8: {  	s4 =	simm.s32 $0xD100  }
0x3f9: {  	[tilespmem:s4], [sflag:$0x2] =	stream.indirect_vreg.gather [hbm4b:s11+s5], $0x80, v4, vm0, $0xb8;
	[tilespmem:$0x18100] =	vst v63  }
0x3fa: {  	s15 =	simm.s32 $0xD900  }
0x3fb: {  	[tilespmem:s15], [sflag:$0x2] =	stream.indirect_vreg.gather [hbm4b:s2+s5], $0x80, v3, vm0, $0xb8;
	[tilespmem:$0x18100] =	vst v63  }
0x3fc: {  	s16 =	simm.s32 $0xE100  }
0x3fd: {  	[tilespmem:s16], [sflag:$0x2] =	stream.indirect_vreg.gather [hbm4b:s10+s5], $0x80, v3, vm0, $0xb8;
	[tilespmem:$0x18100] =	vst v63  }
0x3fe: {  	s15 =	simm.s32 $0xE900  }
0x3ff: {  	[tilespmem:s15], [sflag:$0x2] =	stream.indirect_vreg.gather [hbm4b:s11+s5], $0x80, v3, vm0, $0xb8;
	[tilespmem:$0x18100] =	vst v63  }
0x400: {  	v3 =	vld [tilespmem:$0xD0];
	_ =	sdelay $0x4  }
0x401: {  	v61 =	vshrl.u32 v3, $0x3  }
0x402: {  	v4 =	vmul.u32 $0x30, v61  }
0x403: {  	v3 =	vand.u32 $0x7, v3  }
0x404: {  	v3 =	vor.u32 v3, v4  }
0x405: {  	v4 =	vperm.xlane v3, v0;
	_ =	sdelay $0x1  }
0x406: {  	v4 =	vadd.s32 v1, v4;
	_ =	sdelay $0x3  }
0x407: {  	s16 =	simm.s32 $0xF100;
	v3 =	vperm.xlane v3, v2  }
0x408: {  	[tilespmem:s16], [sflag:$0x2] =	stream.indirect_vreg.gather [hbm4b:s2+s5], $0x80, v4, vm0, $0xb8;
	[tilespmem:$0x18100] =	vst v63  }
0x409: {  	s17 =	simm.s32 $0xF900;
	v3 =	vadd.s32 v1, v3  }
0x40a: {  	[tilespmem:s17], [sflag:$0x2] =	stream.indirect_vreg.gather [hbm4b:s10+s5], $0x80, v4, vm0, $0xb8;
	[tilespmem:$0x18100] =	vst v63  }
0x40b: {  	s18 =	simm.s32 $0x10100  }
0x40c: {  	[tilespmem:s18], [sflag:$0x2] =	stream.indirect_vreg.gather [hbm4b:s11+s5], $0x80, v4, vm0, $0xb8;
	[tilespmem:$0x18100] =	vst v63  }
0x40d: {  	s20 =	simm.s32 $0x10900  }
0x40e: {  	[tilespmem:s20], [sflag:$0x2] =	stream.indirect_vreg.gather [hbm4b:s2+s5], $0x80, v3, vm0, $0xb8;
	[tilespmem:$0x18100] =	vst v63  }
0x40f: {  	s22 =	simm.s32 $0x11100  }
0x410: {  	[tilespmem:s22], [sflag:$0x2] =	stream.indirect_vreg.gather [hbm4b:s10+s5], $0x80, v3, vm0, $0xb8;
	[tilespmem:$0x18100] =	vst v63  }
0x411: {  	s23 =	simm.s32 $0x11900  }
0x412: {  	[tilespmem:s23], [sflag:$0x2] =	stream.indirect_vreg.gather [hbm4b:s11+s5], $0x80, v3, vm0, $0xb8;
	[tilespmem:$0x18100] =	vst v63  }
0x413: {  	v3 =	vld [tilespmem:$0xE0];
	_ =	sdelay $0x4  }
0x414: {  	v62 =	vshrl.u32 v3, $0x3  }
0x415: {  	v4 =	vmul.u32 $0x30, v62  }
0x416: {  	v3 =	vand.u32 $0x7, v3  }
0x417: {  	v3 =	vor.u32 v3, v4  }
0x418: {  	v4 =	vperm.xlane v3, v0;
	_ =	sdelay $0x1  }
0x419: {  	v4 =	vadd.s32 v1, v4;
	_ =	sdelay $0x3  }
0x41a: {  	s30 =	simm.s32 $0x12100;
	v3 =	vperm.xlane v3, v2  }
0x41b: {  	[tilespmem:s30], [sflag:$0x2] =	stream.indirect_vreg.gather [hbm4b:s2+s5], $0x80, v4, vm0, $0xb8;
	[tilespmem:$0x18100] =	vst v63  }
0x41c: {  	s24 =	simm.s32 $0x12900;
	v3 =	vadd.s32 v1, v3  }
0x41d: {  	[tilespmem:s24], [sflag:$0x2] =	stream.indirect_vreg.gather [hbm4b:s10+s5], $0x80, v4, vm0, $0xb8;
	[tilespmem:$0x18100] =	vst v63  }
0x41e: {  	s31 =	simm.s32 $0x13100  }
0x41f: {  	[tilespmem:s31], [sflag:$0x2] =	stream.indirect_vreg.gather [hbm4b:s11+s5], $0x80, v4, vm0, $0xb8;
	[tilespmem:$0x18100] =	vst v63  }
0x420: {  	s4 =	simm.s32 $0x13900  }
0x421: {  	[tilespmem:s4], [sflag:$0x2] =	stream.indirect_vreg.gather [hbm4b:s2+s5], $0x80, v3, vm0, $0xb8;
	[tilespmem:$0x18100] =	vst v63  }
0x422: {  	s15 =	simm.s32 $0x14100  }
0x423: {  	[tilespmem:s15], [sflag:$0x2] =	stream.indirect_vreg.gather [hbm4b:s10+s5], $0x80, v3, vm0, $0xb8;
	[tilespmem:$0x18100] =	vst v63  }
0x424: {  	s16 =	simm.s32 $0x14900  }
0x425: {  	[tilespmem:s16], [sflag:$0x2] =	stream.indirect_vreg.gather [hbm4b:s11+s5], $0x80, v3, vm0, $0xb8;
	[tilespmem:$0x18100] =	vst v63  }
0x426: {  	v3 =	vld [tilespmem:$0xF0];
	_ =	sdelay $0x4  }
0x427: {  	v63 =	vshrl.u32 v3, $0x3  }
0x428: {  	v4 =	vmul.u32 $0x30, v63  }
0x429: {  	v3 =	vand.u32 $0x7, v3  }
0x42a: {  	v3 =	vor.u32 v3, v4  }
0x42b: {  	v4 =	vperm.xlane v3, v0;
	_ =	sdelay $0x1  }
0x42c: {  	v4 =	vadd.s32 v1, v4;
	_ =	sdelay $0x3  }
0x42d: {  	s17 =	simm.s32 $0x15100;
	v3 =	vperm.xlane v3, v2  }
0x42e: {  	[tilespmem:s17], [sflag:$0x2] =	stream.indirect_vreg.gather [hbm4b:s2+s5], $0x80, v4, vm0, $0xb8;
	[tilespmem:$0x18100] =	vst v63  }
0x42f: {  	s21 =	simm.s32 $0x15900;
	v3 =	vadd.s32 v1, v3  }
0x430: {  	[tilespmem:s21], [sflag:$0x2] =	stream.indirect_vreg.gather [hbm4b:s10+s5], $0x80, v4, vm0, $0xb8;
	[tilespmem:$0x18100] =	vst v63  }
0x431: {  	s13 =	simm.s32 $0x16100  }
0x432: {  	[tilespmem:s13], [sflag:$0x2] =	stream.indirect_vreg.gather [hbm4b:s11+s5], $0x80, v4, vm0, $0xb8;
	[tilespmem:$0x18100] =	vst v63  }
0x433: {  	s18 =	simm.s32 $0x16900  }
0x434: {  	[tilespmem:s18], [sflag:$0x2] =	stream.indirect_vreg.gather [hbm4b:s2+s5], $0x80, v3, vm0, $0xb8;
	[tilespmem:$0x18100] =	vst v63  }
0x435: {  	s20 =	simm.s32 $0x17100  }
0x436: {  	[tilespmem:s20], [sflag:$0x2] =	stream.indirect_vreg.gather [hbm4b:s10+s5], $0x80, v3, vm0, $0xb8;
	[tilespmem:$0x18100] =	vst v63  }
0x437: {  	s21 =	simm.s32 $0x17900  }
0x438: {  	[tilespmem:s21], [sflag:$0x2] =	stream.indirect_vreg.gather [hbm4b:s11+s5], $0x80, v3, vm0, $0xb8;
	[tilespmem:$0x18100] =	vst v63  }
0x439: {  	_ =	swait.ge [sflag:s25], $0xC000  }
0x43a: {  	s22 =	sld [smem:$0x7F8]  }
0x43b: {  	[sflag:s25] =	ssyncset.done $0x0  }
0x43c: {  	s23 =	sld [smem:$0x7F9];
	[sflag:s25] =	ssyncadd.s32 $0xFFFF4000  }
0x43d: {  	[hbm4b:s22+s5] =	stream.linear.scatter [tilespmem:s14], [sflag:$0x3], $0xC000, $0x38;
	[tilespmem:$0x18100] =	vst v63  }
0x43e: {  	_ = 	snop  }
0x43f: {  	[hbm4b:s23+s5] =	stream.linear.scatter [tilespmem:s14], [sflag:$0x3], $0xC000, $0x38;
	[tilespmem:$0x18100] =	vst v63  }
0x440: {  	_ =	swait.ge [sflag:s28], $0xC000  }
0x441: {  	s24 =	sld [smem:$0x7FA]  }
0x442: {  	[sflag:s28] =	ssyncset.done $0x0  }
0x443: {  	s31 =	sld [smem:$0x7FB];
	[sflag:s28] =	ssyncadd.s32 $0xFFFF4000  }
0x444: {  	[hbm4b:s24+s5] =	stream.linear.scatter [tilespmem:s19], [sflag:$0x4], $0xC000, $0x38;
	[tilespmem:$0x18100] =	vst v63  }
0x445: {  	_ = 	snop  }
0x446: {  	[hbm4b:s31+s5] =	stream.linear.scatter [tilespmem:s19], [sflag:$0x4], $0xC000, $0x38;
	[tilespmem:$0x18100] =	vst v63  }
0x447: {  	_ =	swait.ge [sflag:s26], $0xC000  }
0x448: {  	[sflag:s26] =	ssyncset.done $0x0  }
0x449: {  	[sflag:s26] =	ssyncadd.s32 $0xFFFF4000  }
0x44a: {  	_ =	swait.ge [sflag:s26], $0xC000  }
0x44b: {  	[sflag:s26] =	ssyncset.done $0x0  }
0x44c: {  	[sflag:s26] =	ssyncadd.s32 $0xFFFF4000  }
0x44d: {  	p0 =	sne.s32 s12, $0x1;
	_ =	swait.ge [sflag:s29], $0xC000  }
.Ltmp0:
0x44e: {  	[sflag:s29] =	ssyncset.done $0x0;
	(pc) =	sbr.rel @p0 .LBB2_1-.Ltmp0, $4  }
0x44f: {  	[sflag:s29] =	ssyncadd.s32 $0xFFFF4000  }
0x450: {  	_ =	swait.ge [sflag:s29], $0xC000  }
0x451: {  	[sflag:s29] =	ssyncset.done $0x0  }
0x452: {  	s12 =	sadd.s32 $0xFFFFFFFF, s12;
	[sflag:s29] =	ssyncadd.s32 $0xFFFF4000  }
0x453: {  	_ =	sfence.sel $0x180000  }
0x454: {  	[bflag:$0x0] =	sbarrier.arrive $0xFFFF  }
0x455: {  	_ =	strace $0x90000047  }
0x456: {  	s0 =	stileid.u32;
	[bflag:$0x2] =	sbarrier.arrive $0xFFFF  }
0x457: {  	p0 =	sne.s32 s0, $0x0;
	s0 =	rddreg [dreg:$0xa]  }
0x458: {  	s0 =	sadd.s32 @!p0 $0x100000, s0  }
0x459: {  	[sflag:s0] =	ssyncadd.tile.s32 @!p0 $0x1;
	_ =	shalt  }
.Lfunc_end2:
_tile_overlayer_lowered:
.L_overlay_start_2:
0x45a: {  	(tag) =	ssettag $0x2  }
0x45b: {  	s0 =	rddreg [dreg:$0x0];
	s2 =	stileid.u32  }
0x45c: {  	s1 =	rddreg [dreg:$0x1];
	p0 =	sne.s32 s2, $0x0  }
0x45d: {  	s3 =	rddreg [dreg:$0x2];
	[bflag:$0x3] =	sbarrier.arrive $0xFFFF;
	s2 =	simm.s32 @!p0 $0x1C05  }
0x45e: {  	[timem:s3], [sflag:s2] =	dma.local @!p0 [hbm:s0], s1  }
0x45f: {  	s0 =	simm.s32 @!p0 $0x5  }
0x460: {  	_ =	swait.ge @!p0 [sflag:s0], s1  }
0x461: {  	s1 =	ssub.s32 @!p0 $0x0, s1;
	[sflag:s0] =	ssyncset.done @!p0 $0x0  }
0x462: {  	[sflag:s0] =	ssyncadd.s32 @!p0 s1  }
0x463: {  	[bflag:$0x3] =	sbarrier.arrive $0xFFFF  }
0x464: {  	_ =	shalt  }

</sc_bundles>
